<compile_context>
chip_gen: v7x
topology: tpu7x:2x2x1
jax: 0.10.2.dev20260603
libtpu: 0.0.44.dev20260713+nightly
codegen_flags: <defaults>
</compile_context>

<pallas_src>
import functools
from itertools import combinations

import numpy as np
import jax
import jax.numpy as jnp
from jax import lax
from jax.experimental import pallas as pl
from jax.experimental.pallas import tpu as pltpu
from jax.experimental.pallas import tpu_sc as plsc

KC = 20
NBLK = 5
NGROUP = 112
NLANE = 16
NHIST = NGROUP * NLANE
NWORKER = 32
BT = 32768
CHK = 8192
NSUB = 240
INV_LOG2 = 1.4426950408889634




def _build_maps():
    mt = np.zeros((NGROUP, NSUB), np.float32)
    subs4 = list(combinations(range(4), 3))
    for i in range(NBLK):
        for nib in range(16):
            bits = [(nib >> m) & 1 for m in range(4)]
            for s, sub in enumerate(subs4):
                key = bits[sub[0]] + 2 * bits[sub[1]] + 4 * bits[sub[2]]
                mt[i * 16 + nib, i * 32 + s * 8 + key] += 1.0
    subs5 = list(combinations(range(5), 3))
    for g in range(32):
        bits = [(g >> m) & 1 for m in range(5)]
        for s, sub in enumerate(subs5):
            key = bits[sub[0]] + 2 * bits[sub[1]] + 4 * bits[sub[2]]
            mt[80 + g, 160 + s * 8 + key] += 1.0
    gt = np.zeros((NSUB, 8), np.float32)
    for i in range(NBLK):
        gt[i * 32:(i + 1) * 32, i] = 0.25
    gt[160:NSUB, 5] = 0.1
    return mt, gt


_MT, _GT = _build_maps()


@functools.lru_cache(maxsize=None)
def _tc_pack_fn(nrows):
    def body(x_ref, out_ref):
        jj8 = lax.broadcasted_iota(jnp.int32, (8, 1), 0)
        zero = jnp.int32(0)
        acc = None
        for k in range(2):
            xk = x_ref[8 * k:8 * k + 8, :]
            tk = jnp.where(xk > 0, jnp.int32(1) << (jj8 + 8 * k), zero)
            y = xk + pltpu.roll(xk, 7, 0)
            z = y + pltpu.roll(y, 6, 0)
            w5 = ((jnp.where(jj8 == 0, 1, 0) << (20 + 2 * k))
                  + (jnp.where(jj8 == 4, 1, 0) << (21 + 2 * k)))
            tk = tk + jnp.where(z > 0, w5, zero)
            acc = tk if acc is None else acc + tk
        x2 = x_ref[16:KC, :]
        jj4 = lax.broadcasted_iota(jnp.int32, (4, 1), 0)
        t2 = jnp.where(x2 > 0, jnp.int32(1) << (jj4 + 16), zero)
        y2 = x2 + pltpu.roll(x2, 3, 0)
        z2 = y2 + pltpu.roll(y2, 2, 0)
        w52 = jnp.where(jj4 == 0, jnp.int32(1) << 24, zero)
        t2 = t2 + jnp.where(z2 > 0, w52, zero)
        out_ref[...] = jnp.sum(acc, axis=0) + jnp.sum(t2, axis=0)

    return pl.pallas_call(
        body,
        grid=(nrows // BT,),
        in_specs=[pl.BlockSpec((KC, BT), lambda i: (0, i))],
        out_specs=pl.BlockSpec((BT,), lambda i: (i,)),
        out_shape=jax.ShapeDtypeStruct((nrows,), jnp.int32),
    )


@functools.lru_cache(maxsize=None)
def _sc_hist_fn(nrows):
    rows_w = nrows // NWORKER
    nchunk = rows_w // CHK
    mesh = plsc.VectorSubcoreMesh(core_axis_name="c", subcore_axis_name="s")

    @functools.partial(
        pl.kernel,
        mesh=mesh,
        compiler_params=pltpu.CompilerParams(
            needs_layout_passes=False, use_tc_tiling_on_sc=False),
        out_type=jax.ShapeDtypeStruct((NWORKER * NHIST,), jnp.float32),
        scratch_types=[
            pltpu.VMEM((CHK,), jnp.int32),
            pltpu.VMEM((CHK,), jnp.int32),
            pltpu.VMEM((NHIST,), jnp.float32),
            pltpu.SemaphoreType.DMA,
            pltpu.SemaphoreType.DMA,
        ],
    )
    def sc_hist(pk_hbm, out_hbm, buf0, buf1, hist, sem0, sem1):
        wid = lax.axis_index("s") * 2 + lax.axis_index("c")
        base = wid * rows_w
        zeros16 = jnp.zeros((NLANE,), jnp.float32)
        for b in range(NGROUP):
            hist[pl.ds(b * NLANE, NLANE)] = zeros16
        lane = lax.iota(jnp.int32, NLANE)
        ones16 = jnp.ones((NLANE,), jnp.float32)

        def compute(buf):
            def body(t, carry):
                p = buf[pl.ds(t * NLANE, NLANE)]
                plsc.addupdate_scatter(
                    hist, [((p & 15) << 4) + lane], ones16)
                for i in range(1, NBLK):
                    plsc.addupdate_scatter(
                        hist,
                        [((p >> (4 * i - 4)) & 240) + (lane + i * 256)],
                        ones16)
                plsc.addupdate_scatter(
                    hist, [((p >> 16) & 496) + (lane + 1280)], ones16)
                return carry

            lax.fori_loop(0, CHK // NLANE, body, 0)

        bufs = (buf0, buf1)
        sems = (sem0, sem1)
        handles = [None] * nchunk
        handles[0] = pltpu.async_copy(
            pk_hbm.at[pl.ds(base, CHK)], bufs[0], sems[0])
        for ci in range(nchunk):
            if ci + 1 < nchunk:
                nb = (ci + 1) & 1
                handles[ci + 1] = pltpu.async_copy(
                    pk_hbm.at[pl.ds(base + (ci + 1) * CHK, CHK)],
                    bufs[nb], sems[nb])
            handles[ci].wait()
            compute(bufs[ci & 1])
        pltpu.sync_copy(hist, out_hbm.at[pl.ds(wid * NHIST, NHIST)])

    return sc_hist


@functools.lru_cache(maxsize=None)
def _tc_entropy_fn(nrows):
    denom = np.float32(nrows + 1e-8)

    def body(p_ref, mt_ref, gt_ref, out_ref):
        x = p_ref[...]
        c = jnp.sum(jnp.sum(x, axis=2), axis=0)
        counts = c.reshape(1, NGROUP)
        sub = jnp.dot(counts, mt_ref[...], preferred_element_type=jnp.float32,
                      precision=jax.lax.Precision.HIGHEST)
        p = sub / denom
        logp = jnp.log(jnp.where(sub > 0, p, 1.0)) * INV_LOG2
        t = jnp.where(sub > 0, -(p * logp), 0.0)
        out_ref[...] = jnp.dot(t, gt_ref[...], preferred_element_type=jnp.float32,
                               precision=jax.lax.Precision.HIGHEST)

    return pl.pallas_call(
        body,
        out_shape=jax.ShapeDtypeStruct((1, 8), jnp.float32),
    )


def kernel(phi):
    nrows = phi.shape[0]
    packed = _tc_pack_fn(nrows)(phi.T)
    partial = _sc_hist_fn(nrows)(packed)
    partial3 = partial.reshape(NWORKER, NGROUP, NLANE)
    res = _tc_entropy_fn(nrows)(partial3, _MT, _GT)
    return res[0, :NBLK], res[0, NBLK]

# --- scband reference (transcript-rebuilt; emitter-appended) ---
"""Pipeline reference for scband-hypergraph-orthogonality-pressure-88304527606106 (READ-ONLY COPY).

The authoritative reference and input builder live on the scoring server;
editing this copy changes nothing except your own understanding.
"""

import jax, jax.numpy as jnp
import numpy as np
from itertools import combinations

K_ORDER = 3
BATCH = 1048576
K = 20


def setup_inputs(seed: int = 0) -> dict:
    key = jax.random.key(seed)
    phi = jax.random.normal(key, (BATCH, K), dtype=jnp.float32)
    return {"phi": phi}


def _subset_entropy(phi, k):
    batch_size, Kc = phi.shape
    if Kc < k or k == 0:
        return jnp.float32(0.0)
    subsets = list(combinations(range(Kc), k))
    # By construction (block size 4, num_blocks=5, k=3) len(subsets) <= 10,
    # so the torch module's random.sample branch is never taken.
    h_sum = jnp.float32(0.0)
    for S in subsets:
        cols = jnp.asarray(S, dtype=jnp.int32)
        outcomes = phi[:, cols] > 0
        powers = jnp.power(2, jnp.arange(len(S)))
        keys = (outcomes.astype(jnp.int64) * powers).sum(axis=1)
        counts = jnp.bincount(keys, minlength=2 ** len(S), length=2 ** len(S)).astype(jnp.float32)
        probs = counts / (batch_size + 1e-08)
        safe = jnp.where(probs > 0, probs, 1.0)
        h_sum = h_sum + (-(jnp.where(probs > 0, probs * jnp.log2(safe), 0.0)).sum())
    return h_sum / len(subsets)


def reference(phi):
    batch_size, Kc = phi.shape
    if Kc < K_ORDER:
        return (jnp.array([0.0], dtype=jnp.float32), jnp.float32(0.0))
    B = 4
    num_blocks = (Kc + B - 1) // B
    local_entropies = []
    block_reps = []
    for i in range(num_blocks):
        start = i * B
        end = min(start + B, Kc)
        block_phi = phi[:, start:end]
        h_local = _subset_entropy(block_phi, min(K_ORDER, end - start))
        local_entropies.append(h_local)
        block_reps.append(block_phi.mean(axis=1, keepdims=True))
    global_phi = jnp.concatenate(block_reps, axis=1)
    global_entropy = _subset_entropy(global_phi, min(K_ORDER, num_blocks))
    return (jnp.stack(local_entropies), global_entropy)

if __name__ == "__main__":
    import jax
    _d = setup_inputs()
    print(jax.jit(kernel)(*tuple(_d.values())))

</pallas_src>

<mosaic_0001>
#map = affine_map<(d0, d1) -> (0)>
module attributes {stable_mosaic.version = 14 : i64} {
  func.func @sc_hist(%arg0: i32, %arg1: i32, %arg2: memref<1048576xi32, #tpu.memory_space<hbm>>, %arg3: memref<57344xf32, #tpu.memory_space<hbm>>, %arg4: memref<8192xi32, #tpu.memory_space<vmem>>, %arg5: memref<8192xi32, #tpu.memory_space<vmem>>, %arg6: memref<1792xf32, #tpu.memory_space<vmem>>, %arg7: memref<!tpu.dma_semaphore, #tpu.memory_space<semaphore_mem>>, %arg8: memref<!tpu.dma_semaphore, #tpu.memory_space<semaphore_mem>>) attributes {dimension_semantics = [#tpu.dimension_semantics<core_parallel>, #tpu.dimension_semantics<subcore_parallel>], iteration_bounds = array<i64: 2, 16>, scalar_prefetch = 0 : i64, scratch_operands = 5 : i64, tpu.core_type = #tpu.core_type<sc_vector_subcore>, window_params = [{transform_indices = #map}, {transform_indices = #map}]} {
    %mul3A = arith.constant 2 : i32
    %mul3A_0 = arith.muli %arg1, %mul3A : i32
    %add3A = arith.addi %mul3A_0, %arg0 : i32
    %mul3A_1 = arith.constant 32768 : i32
    %mul3A_2 = arith.muli %add3A, %mul3A_1 : i32
    %broadcast_in_dim3A = arith.constant 0.000000e+00 : f32
    %broadcast_in_dim3A_3 = vector.broadcast %broadcast_in_dim3A : f32 to vector<16xf32>
    %swap3A = arith.constant 0 : index
    %swap3A_4 = tpu.vector_load %arg6[%swap3A] {strides = array<i32>} : memref<1792xf32, #tpu.memory_space<vmem>>, vector<16xf32>,
    tpu.vector_store %arg6[%swap3A], %broadcast_in_dim3A_3 {strides = array<i32>} : memref<1792xf32, #tpu.memory_space<vmem>>, vector<16xf32>,
    %swap3A_5 = arith.constant 16 : index
    %swap3A_6 = tpu.vector_load %arg6[%swap3A_5] {strides = array<i32>} : memref<1792xf32, #tpu.memory_space<vmem>>, vector<16xf32>,
    tpu.vector_store %arg6[%swap3A_5], %broadcast_in_dim3A_3 {strides = array<i32>} : memref<1792xf32, #tpu.memory_space<vmem>>, vector<16xf32>,
    %swap3A_7 = arith.constant 32 : index
    %swap3A_8 = tpu.vector_load %arg6[%swap3A_7] {strides = array<i32>} : memref<1792xf32, #tpu.memory_space<vmem>>, vector<16xf32>,
    tpu.vector_store %arg6[%swap3A_7], %broadcast_in_dim3A_3 {strides = array<i32>} : memref<1792xf32, #tpu.memory_space<vmem>>, vector<16xf32>,
    %swap3A_9 = arith.constant 48 : index
    %swap3A_10 = tpu.vector_load %arg6[%swap3A_9] {strides = array<i32>} : memref<1792xf32, #tpu.memory_space<vmem>>, vector<16xf32>,
    tpu.vector_store %arg6[%swap3A_9], %broadcast_in_dim3A_3 {strides = array<i32>} : memref<1792xf32, #tpu.memory_space<vmem>>, vector<16xf32>,
    %swap3A_11 = arith.constant 64 : index
    %swap3A_12 = tpu.vector_load %arg6[%swap3A_11] {strides = array<i32>} : memref<1792xf32, #tpu.memory_space<vmem>>, vector<16xf32>,
    tpu.vector_store %arg6[%swap3A_11], %broadcast_in_dim3A_3 {strides = array<i32>} : memref<1792xf32, #tpu.memory_space<vmem>>, vector<16xf32>,
    %swap3A_13 = arith.constant 80 : index
    %swap3A_14 = tpu.vector_load %arg6[%swap3A_13] {strides = array<i32>} : memref<1792xf32, #tpu.memory_space<vmem>>, vector<16xf32>,
    tpu.vector_store %arg6[%swap3A_13], %broadcast_in_dim3A_3 {strides = array<i32>} : memref<1792xf32, #tpu.memory_space<vmem>>, vector<16xf32>,
    %swap3A_15 = arith.constant 96 : index
    %swap3A_16 = tpu.vector_load %arg6[%swap3A_15] {strides = array<i32>} : memref<1792xf32, #tpu.memory_space<vmem>>, vector<16xf32>,
    tpu.vector_store %arg6[%swap3A_15], %broadcast_in_dim3A_3 {strides = array<i32>} : memref<1792xf32, #tpu.memory_space<vmem>>, vector<16xf32>,
    %swap3A_17 = arith.constant 112 : index
    %swap3A_18 = tpu.vector_load %arg6[%swap3A_17] {strides = array<i32>} : memref<1792xf32, #tpu.memory_space<vmem>>, vector<16xf32>,
    tpu.vector_store %arg6[%swap3A_17], %broadcast_in_dim3A_3 {strides = array<i32>} : memref<1792xf32, #tpu.memory_space<vmem>>, vector<16xf32>,
    %swap3A_19 = arith.constant 128 : index
    %swap3A_20 = tpu.vector_load %arg6[%swap3A_19] {strides = array<i32>} : memref<1792xf32, #tpu.memory_space<vmem>>, vector<16xf32>,
    tpu.vector_store %arg6[%swap3A_19], %broadcast_in_dim3A_3 {strides = array<i32>} : memref<1792xf32, #tpu.memory_space<vmem>>, vector<16xf32>,
    %swap3A_21 = arith.constant 144 : index
    %swap3A_22 = tpu.vector_load %arg6[%swap3A_21] {strides = array<i32>} : memref<1792xf32, #tpu.memory_space<vmem>>, vector<16xf32>,
    tpu.vector_store %arg6[%swap3A_21], %broadcast_in_dim3A_3 {strides = array<i32>} : memref<1792xf32, #tpu.memory_space<vmem>>, vector<16xf32>,
    %swap3A_23 = arith.constant 160 : index
    %swap3A_24 = tpu.vector_load %arg6[%swap3A_23] {strides = array<i32>} : memref<1792xf32, #tpu.memory_space<vmem>>, vector<16xf32>,
    tpu.vector_store %arg6[%swap3A_23], %broadcast_in_dim3A_3 {strides = array<i32>} : memref<1792xf32, #tpu.memory_space<vmem>>, vector<16xf32>,
    %swap3A_25 = arith.constant 176 : index
    %swap3A_26 = tpu.vector_load %arg6[%swap3A_25] {strides = array<i32>} : memref<1792xf32, #tpu.memory_space<vmem>>, vector<16xf32>,
    tpu.vector_store %arg6[%swap3A_25], %broadcast_in_dim3A_3 {strides = array<i32>} : memref<1792xf32, #tpu.memory_space<vmem>>, vector<16xf32>,
    %swap3A_27 = arith.constant 192 : index
    %swap3A_28 = tpu.vector_load %arg6[%swap3A_27] {strides = array<i32>} : memref<1792xf32, #tpu.memory_space<vmem>>, vector<16xf32>,
    tpu.vector_store %arg6[%swap3A_27], %broadcast_in_dim3A_3 {strides = array<i32>} : memref<1792xf32, #tpu.memory_space<vmem>>, vector<16xf32>,
    %swap3A_29 = arith.constant 208 : index
    %swap3A_30 = tpu.vector_load %arg6[%swap3A_29] {strides = array<i32>} : memref<1792xf32, #tpu.memory_space<vmem>>, vector<16xf32>,
    tpu.vector_store %arg6[%swap3A_29], %broadcast_in_dim3A_3 {strides = array<i32>} : memref<1792xf32, #tpu.memory_space<vmem>>, vector<16xf32>,
    %swap3A_31 = arith.constant 224 : index
    %swap3A_32 = tpu.vector_load %arg6[%swap3A_31] {strides = array<i32>} : memref<1792xf32, #tpu.memory_space<vmem>>, vector<16xf32>,
    tpu.vector_store %arg6[%swap3A_31], %broadcast_in_dim3A_3 {strides = array<i32>} : memref<1792xf32, #tpu.memory_space<vmem>>, vector<16xf32>,
    %swap3A_33 = arith.constant 240 : index
    %swap3A_34 = tpu.vector_load %arg6[%swap3A_33] {strides = array<i32>} : memref<1792xf32, #tpu.memory_space<vmem>>, vector<16xf32>,
    tpu.vector_store %arg6[%swap3A_33], %broadcast_in_dim3A_3 {strides = array<i32>} : memref<1792xf32, #tpu.memory_space<vmem>>, vector<16xf32>,
    %swap3A_35 = arith.constant 256 : index
    %swap3A_36 = tpu.vector_load %arg6[%swap3A_35] {strides = array<i32>} : memref<1792xf32, #tpu.memory_space<vmem>>, vector<16xf32>,
    tpu.vector_store %arg6[%swap3A_35], %broadcast_in_dim3A_3 {strides = array<i32>} : memref<1792xf32, #tpu.memory_space<vmem>>, vector<16xf32>,
    %swap3A_37 = arith.constant 272 : index
    %swap3A_38 = tpu.vector_load %arg6[%swap3A_37] {strides = array<i32>} : memref<1792xf32, #tpu.memory_space<vmem>>, vector<16xf32>,
    tpu.vector_store %arg6[%swap3A_37], %broadcast_in_dim3A_3 {strides = array<i32>} : memref<1792xf32, #tpu.memory_space<vmem>>, vector<16xf32>,
    %swap3A_39 = arith.constant 288 : index
    %swap3A_40 = tpu.vector_load %arg6[%swap3A_39] {strides = array<i32>} : memref<1792xf32, #tpu.memory_space<vmem>>, vector<16xf32>,
    tpu.vector_store %arg6[%swap3A_39], %broadcast_in_dim3A_3 {strides = array<i32>} : memref<1792xf32, #tpu.memory_space<vmem>>, vector<16xf32>,
    %swap3A_41 = arith.constant 304 : index
    %swap3A_42 = tpu.vector_load %arg6[%swap3A_41] {strides = array<i32>} : memref<1792xf32, #tpu.memory_space<vmem>>, vector<16xf32>,
    tpu.vector_store %arg6[%swap3A_41], %broadcast_in_dim3A_3 {strides = array<i32>} : memref<1792xf32, #tpu.memory_space<vmem>>, vector<16xf32>,
    %swap3A_43 = arith.constant 320 : index
    %swap3A_44 = tpu.vector_load %arg6[%swap3A_43] {strides = array<i32>} : memref<1792xf32, #tpu.memory_space<vmem>>, vector<16xf32>,
    tpu.vector_store %arg6[%swap3A_43], %broadcast_in_dim3A_3 {strides = array<i32>} : memref<1792xf32, #tpu.memory_space<vmem>>, vector<16xf32>,
    %swap3A_45 = arith.constant 336 : index
    %swap3A_46 = tpu.vector_load %arg6[%swap3A_45] {strides = array<i32>} : memref<1792xf32, #tpu.memory_space<vmem>>, vector<16xf32>,
    tpu.vector_store %arg6[%swap3A_45], %broadcast_in_dim3A_3 {strides = array<i32>} : memref<1792xf32, #tpu.memory_space<vmem>>, vector<16xf32>,
    %swap3A_47 = arith.constant 352 : index
    %swap3A_48 = tpu.vector_load %arg6[%swap3A_47] {strides = array<i32>} : memref<1792xf32, #tpu.memory_space<vmem>>, vector<16xf32>,
    tpu.vector_store %arg6[%swap3A_47], %broadcast_in_dim3A_3 {strides = array<i32>} : memref<1792xf32, #tpu.memory_space<vmem>>, vector<16xf32>,
    %swap3A_49 = arith.constant 368 : index
    %swap3A_50 = tpu.vector_load %arg6[%swap3A_49] {strides = array<i32>} : memref<1792xf32, #tpu.memory_space<vmem>>, vector<16xf32>,
    tpu.vector_store %arg6[%swap3A_49], %broadcast_in_dim3A_3 {strides = array<i32>} : memref<1792xf32, #tpu.memory_space<vmem>>, vector<16xf32>,
    %swap3A_51 = arith.constant 384 : index
    %swap3A_52 = tpu.vector_load %arg6[%swap3A_51] {strides = array<i32>} : memref<1792xf32, #tpu.memory_space<vmem>>, vector<16xf32>,
    tpu.vector_store %arg6[%swap3A_51], %broadcast_in_dim3A_3 {strides = array<i32>} : memref<1792xf32, #tpu.memory_space<vmem>>, vector<16xf32>,
    %swap3A_53 = arith.constant 400 : index
    %swap3A_54 = tpu.vector_load %arg6[%swap3A_53] {strides = array<i32>} : memref<1792xf32, #tpu.memory_space<vmem>>, vector<16xf32>,
    tpu.vector_store %arg6[%swap3A_53], %broadcast_in_dim3A_3 {strides = array<i32>} : memref<1792xf32, #tpu.memory_space<vmem>>, vector<16xf32>,
    %swap3A_55 = arith.constant 416 : index
    %swap3A_56 = tpu.vector_load %arg6[%swap3A_55] {strides = array<i32>} : memref<1792xf32, #tpu.memory_space<vmem>>, vector<16xf32>,
    tpu.vector_store %arg6[%swap3A_55], %broadcast_in_dim3A_3 {strides = array<i32>} : memref<1792xf32, #tpu.memory_space<vmem>>, vector<16xf32>,
    %swap3A_57 = arith.constant 432 : index
    %swap3A_58 = tpu.vector_load %arg6[%swap3A_57] {strides = array<i32>} : memref<1792xf32, #tpu.memory_space<vmem>>, vector<16xf32>,
    tpu.vector_store %arg6[%swap3A_57], %broadcast_in_dim3A_3 {strides = array<i32>} : memref<1792xf32, #tpu.memory_space<vmem>>, vector<16xf32>,
    %swap3A_59 = arith.constant 448 : index
    %swap3A_60 = tpu.vector_load %arg6[%swap3A_59] {strides = array<i32>} : memref<1792xf32, #tpu.memory_space<vmem>>, vector<16xf32>,
    tpu.vector_store %arg6[%swap3A_59], %broadcast_in_dim3A_3 {strides = array<i32>} : memref<1792xf32, #tpu.memory_space<vmem>>, vector<16xf32>,
    %swap3A_61 = arith.constant 464 : index
    %swap3A_62 = tpu.vector_load %arg6[%swap3A_61] {strides = array<i32>} : memref<1792xf32, #tpu.memory_space<vmem>>, vector<16xf32>,
    tpu.vector_store %arg6[%swap3A_61], %broadcast_in_dim3A_3 {strides = array<i32>} : memref<1792xf32, #tpu.memory_space<vmem>>, vector<16xf32>,
    %swap3A_63 = arith.constant 480 : index
    %swap3A_64 = tpu.vector_load %arg6[%swap3A_63] {strides = array<i32>} : memref<1792xf32, #tpu.memory_space<vmem>>, vector<16xf32>,
    tpu.vector_store %arg6[%swap3A_63], %broadcast_in_dim3A_3 {strides = array<i32>} : memref<1792xf32, #tpu.memory_space<vmem>>, vector<16xf32>,
    %swap3A_65 = arith.constant 496 : index
    %swap3A_66 = tpu.vector_load %arg6[%swap3A_65] {strides = array<i32>} : memref<1792xf32, #tpu.memory_space<vmem>>, vector<16xf32>,
    tpu.vector_store %arg6[%swap3A_65], %broadcast_in_dim3A_3 {strides = array<i32>} : memref<1792xf32, #tpu.memory_space<vmem>>, vector<16xf32>,
    %swap3A_67 = arith.constant 512 : index
    %swap3A_68 = tpu.vector_load %arg6[%swap3A_67] {strides = array<i32>} : memref<1792xf32, #tpu.memory_space<vmem>>, vector<16xf32>,
    tpu.vector_store %arg6[%swap3A_67], %broadcast_in_dim3A_3 {strides = array<i32>} : memref<1792xf32, #tpu.memory_space<vmem>>, vector<16xf32>,
    %swap3A_69 = arith.constant 528 : index
    %swap3A_70 = tpu.vector_load %arg6[%swap3A_69] {strides = array<i32>} : memref<1792xf32, #tpu.memory_space<vmem>>, vector<16xf32>,
    tpu.vector_store %arg6[%swap3A_69], %broadcast_in_dim3A_3 {strides = array<i32>} : memref<1792xf32, #tpu.memory_space<vmem>>, vector<16xf32>,
    %swap3A_71 = arith.constant 544 : index
    %swap3A_72 = tpu.vector_load %arg6[%swap3A_71] {strides = array<i32>} : memref<1792xf32, #tpu.memory_space<vmem>>, vector<16xf32>,
    tpu.vector_store %arg6[%swap3A_71], %broadcast_in_dim3A_3 {strides = array<i32>} : memref<1792xf32, #tpu.memory_space<vmem>>, vector<16xf32>,
    %swap3A_73 = arith.constant 560 : index
    %swap3A_74 = tpu.vector_load %arg6[%swap3A_73] {strides = array<i32>} : memref<1792xf32, #tpu.memory_space<vmem>>, vector<16xf32>,
    tpu.vector_store %arg6[%swap3A_73], %broadcast_in_dim3A_3 {strides = array<i32>} : memref<1792xf32, #tpu.memory_space<vmem>>, vector<16xf32>,
    %swap3A_75 = arith.constant 576 : index
    %swap3A_76 = tpu.vector_load %arg6[%swap3A_75] {strides = array<i32>} : memref<1792xf32, #tpu.memory_space<vmem>>, vector<16xf32>,
    tpu.vector_store %arg6[%swap3A_75], %broadcast_in_dim3A_3 {strides = array<i32>} : memref<1792xf32, #tpu.memory_space<vmem>>, vector<16xf32>,
    %swap3A_77 = arith.constant 592 : index
    %swap3A_78 = tpu.vector_load %arg6[%swap3A_77] {strides = array<i32>} : memref<1792xf32, #tpu.memory_space<vmem>>, vector<16xf32>,
    tpu.vector_store %arg6[%swap3A_77], %broadcast_in_dim3A_3 {strides = array<i32>} : memref<1792xf32, #tpu.memory_space<vmem>>, vector<16xf32>,
    %swap3A_79 = arith.constant 608 : index
    %swap3A_80 = tpu.vector_load %arg6[%swap3A_79] {strides = array<i32>} : memref<1792xf32, #tpu.memory_space<vmem>>, vector<16xf32>,
    tpu.vector_store %arg6[%swap3A_79], %broadcast_in_dim3A_3 {strides = array<i32>} : memref<1792xf32, #tpu.memory_space<vmem>>, vector<16xf32>,
    %swap3A_81 = arith.constant 624 : index
    %swap3A_82 = tpu.vector_load %arg6[%swap3A_81] {strides = array<i32>} : memref<1792xf32, #tpu.memory_space<vmem>>, vector<16xf32>,
    tpu.vector_store %arg6[%swap3A_81], %broadcast_in_dim3A_3 {strides = array<i32>} : memref<1792xf32, #tpu.memory_space<vmem>>, vector<16xf32>,
    %swap3A_83 = arith.constant 640 : index
    %swap3A_84 = tpu.vector_load %arg6[%swap3A_83] {strides = array<i32>} : memref<1792xf32, #tpu.memory_space<vmem>>, vector<16xf32>,
    tpu.vector_store %arg6[%swap3A_83], %broadcast_in_dim3A_3 {strides = array<i32>} : memref<1792xf32, #tpu.memory_space<vmem>>, vector<16xf32>,
    %swap3A_85 = arith.constant 656 : index
    %swap3A_86 = tpu.vector_load %arg6[%swap3A_85] {strides = array<i32>} : memref<1792xf32, #tpu.memory_space<vmem>>, vector<16xf32>,
    tpu.vector_store %arg6[%swap3A_85], %broadcast_in_dim3A_3 {strides = array<i32>} : memref<1792xf32, #tpu.memory_space<vmem>>, vector<16xf32>,
    %swap3A_87 = arith.constant 672 : index
    %swap3A_88 = tpu.vector_load %arg6[%swap3A_87] {strides = array<i32>} : memref<1792xf32, #tpu.memory_space<vmem>>, vector<16xf32>,
    tpu.vector_store %arg6[%swap3A_87], %broadcast_in_dim3A_3 {strides = array<i32>} : memref<1792xf32, #tpu.memory_space<vmem>>, vector<16xf32>,
    %swap3A_89 = arith.constant 688 : index
    %swap3A_90 = tpu.vector_load %arg6[%swap3A_89] {strides = array<i32>} : memref<1792xf32, #tpu.memory_space<vmem>>, vector<16xf32>,
    tpu.vector_store %arg6[%swap3A_89], %broadcast_in_dim3A_3 {strides = array<i32>} : memref<1792xf32, #tpu.memory_space<vmem>>, vector<16xf32>,
    %swap3A_91 = arith.constant 704 : index
    %swap3A_92 = tpu.vector_load %arg6[%swap3A_91] {strides = array<i32>} : memref<1792xf32, #tpu.memory_space<vmem>>, vector<16xf32>,
    tpu.vector_store %arg6[%swap3A_91], %broadcast_in_dim3A_3 {strides = array<i32>} : memref<1792xf32, #tpu.memory_space<vmem>>, vector<16xf32>,
    %swap3A_93 = arith.constant 720 : index
    %swap3A_94 = tpu.vector_load %arg6[%swap3A_93] {strides = array<i32>} : memref<1792xf32, #tpu.memory_space<vmem>>, vector<16xf32>,
    tpu.vector_store %arg6[%swap3A_93], %broadcast_in_dim3A_3 {strides = array<i32>} : memref<1792xf32, #tpu.memory_space<vmem>>, vector<16xf32>,
    %swap3A_95 = arith.constant 736 : index
    %swap3A_96 = tpu.vector_load %arg6[%swap3A_95] {strides = array<i32>} : memref<1792xf32, #tpu.memory_space<vmem>>, vector<16xf32>,
    tpu.vector_store %arg6[%swap3A_95], %broadcast_in_dim3A_3 {strides = array<i32>} : memref<1792xf32, #tpu.memory_space<vmem>>, vector<16xf32>,
    %swap3A_97 = arith.constant 752 : index
    %swap3A_98 = tpu.vector_load %arg6[%swap3A_97] {strides = array<i32>} : memref<1792xf32, #tpu.memory_space<vmem>>, vector<16xf32>,
    tpu.vector_store %arg6[%swap3A_97], %broadcast_in_dim3A_3 {strides = array<i32>} : memref<1792xf32, #tpu.memory_space<vmem>>, vector<16xf32>,
    %swap3A_99 = arith.constant 768 : index
    %swap3A_100 = tpu.vector_load %arg6[%swap3A_99] {strides = array<i32>} : memref<1792xf32, #tpu.memory_space<vmem>>, vector<16xf32>,
    tpu.vector_store %arg6[%swap3A_99], %broadcast_in_dim3A_3 {strides = array<i32>} : memref<1792xf32, #tpu.memory_space<vmem>>, vector<16xf32>,
    %swap3A_101 = arith.constant 784 : index
    %swap3A_102 = tpu.vector_load %arg6[%swap3A_101] {strides = array<i32>} : memref<1792xf32, #tpu.memory_space<vmem>>, vector<16xf32>,
    tpu.vector_store %arg6[%swap3A_101], %broadcast_in_dim3A_3 {strides = array<i32>} : memref<1792xf32, #tpu.memory_space<vmem>>, vector<16xf32>,
    %swap3A_103 = arith.constant 800 : index
    %swap3A_104 = tpu.vector_load %arg6[%swap3A_103] {strides = array<i32>} : memref<1792xf32, #tpu.memory_space<vmem>>, vector<16xf32>,
    tpu.vector_store %arg6[%swap3A_103], %broadcast_in_dim3A_3 {strides = array<i32>} : memref<1792xf32, #tpu.memory_space<vmem>>, vector<16xf32>,
    %swap3A_105 = arith.constant 816 : index
    %swap3A_106 = tpu.vector_load %arg6[%swap3A_105] {strides = array<i32>} : memref<1792xf32, #tpu.memory_space<vmem>>, vector<16xf32>,
    tpu.vector_store %arg6[%swap3A_105], %broadcast_in_dim3A_3 {strides = array<i32>} : memref<1792xf32, #tpu.memory_space<vmem>>, vector<16xf32>,
    %swap3A_107 = arith.constant 832 : index
    %swap3A_108 = tpu.vector_load %arg6[%swap3A_107] {strides = array<i32>} : memref<1792xf32, #tpu.memory_space<vmem>>, vector<16xf32>,
    tpu.vector_store %arg6[%swap3A_107], %broadcast_in_dim3A_3 {strides = array<i32>} : memref<1792xf32, #tpu.memory_space<vmem>>, vector<16xf32>,
    %swap3A_109 = arith.constant 848 : index
    %swap3A_110 = tpu.vector_load %arg6[%swap3A_109] {strides = array<i32>} : memref<1792xf32, #tpu.memory_space<vmem>>, vector<16xf32>,
    tpu.vector_store %arg6[%swap3A_109], %broadcast_in_dim3A_3 {strides = array<i32>} : memref<1792xf32, #tpu.memory_space<vmem>>, vector<16xf32>,
    %swap3A_111 = arith.constant 864 : index
    %swap3A_112 = tpu.vector_load %arg6[%swap3A_111] {strides = array<i32>} : memref<1792xf32, #tpu.memory_space<vmem>>, vector<16xf32>,
    tpu.vector_store %arg6[%swap3A_111], %broadcast_in_dim3A_3 {strides = array<i32>} : memref<1792xf32, #tpu.memory_space<vmem>>, vector<16xf32>,
    %swap3A_113 = arith.constant 880 : index
    %swap3A_114 = tpu.vector_load %arg6[%swap3A_113] {strides = array<i32>} : memref<1792xf32, #tpu.memory_space<vmem>>, vector<16xf32>,
    tpu.vector_store %arg6[%swap3A_113], %broadcast_in_dim3A_3 {strides = array<i32>} : memref<1792xf32, #tpu.memory_space<vmem>>, vector<16xf32>,
    %swap3A_115 = arith.constant 896 : index
    %swap3A_116 = tpu.vector_load %arg6[%swap3A_115] {strides = array<i32>} : memref<1792xf32, #tpu.memory_space<vmem>>, vector<16xf32>,
    tpu.vector_store %arg6[%swap3A_115], %broadcast_in_dim3A_3 {strides = array<i32>} : memref<1792xf32, #tpu.memory_space<vmem>>, vector<16xf32>,
    %swap3A_117 = arith.constant 912 : index
    %swap3A_118 = tpu.vector_load %arg6[%swap3A_117] {strides = array<i32>} : memref<1792xf32, #tpu.memory_space<vmem>>, vector<16xf32>,
    tpu.vector_store %arg6[%swap3A_117], %broadcast_in_dim3A_3 {strides = array<i32>} : memref<1792xf32, #tpu.memory_space<vmem>>, vector<16xf32>,
    %swap3A_119 = arith.constant 928 : index
    %swap3A_120 = tpu.vector_load %arg6[%swap3A_119] {strides = array<i32>} : memref<1792xf32, #tpu.memory_space<vmem>>, vector<16xf32>,
    tpu.vector_store %arg6[%swap3A_119], %broadcast_in_dim3A_3 {strides = array<i32>} : memref<1792xf32, #tpu.memory_space<vmem>>, vector<16xf32>,
    %swap3A_121 = arith.constant 944 : index
    %swap3A_122 = tpu.vector_load %arg6[%swap3A_121] {strides = array<i32>} : memref<1792xf32, #tpu.memory_space<vmem>>, vector<16xf32>,
    tpu.vector_store %arg6[%swap3A_121], %broadcast_in_dim3A_3 {strides = array<i32>} : memref<1792xf32, #tpu.memory_space<vmem>>, vector<16xf32>,
    %swap3A_123 = arith.constant 960 : index
    %swap3A_124 = tpu.vector_load %arg6[%swap3A_123] {strides = array<i32>} : memref<1792xf32, #tpu.memory_space<vmem>>, vector<16xf32>,
    tpu.vector_store %arg6[%swap3A_123], %broadcast_in_dim3A_3 {strides = array<i32>} : memref<1792xf32, #tpu.memory_space<vmem>>, vector<16xf32>,
    %swap3A_125 = arith.constant 976 : index
    %swap3A_126 = tpu.vector_load %arg6[%swap3A_125] {strides = array<i32>} : memref<1792xf32, #tpu.memory_space<vmem>>, vector<16xf32>,
    tpu.vector_store %arg6[%swap3A_125], %broadcast_in_dim3A_3 {strides = array<i32>} : memref<1792xf32, #tpu.memory_space<vmem>>, vector<16xf32>,
    %swap3A_127 = arith.constant 992 : index
    %swap3A_128 = tpu.vector_load %arg6[%swap3A_127] {strides = array<i32>} : memref<1792xf32, #tpu.memory_space<vmem>>, vector<16xf32>,
    tpu.vector_store %arg6[%swap3A_127], %broadcast_in_dim3A_3 {strides = array<i32>} : memref<1792xf32, #tpu.memory_space<vmem>>, vector<16xf32>,
    %swap3A_129 = arith.constant 1008 : index
    %swap3A_130 = tpu.vector_load %arg6[%swap3A_129] {strides = array<i32>} : memref<1792xf32, #tpu.memory_space<vmem>>, vector<16xf32>,
    tpu.vector_store %arg6[%swap3A_129], %broadcast_in_dim3A_3 {strides = array<i32>} : memref<1792xf32, #tpu.memory_space<vmem>>, vector<16xf32>,
    %swap3A_131 = arith.constant 1024 : index
    %swap3A_132 = tpu.vector_load %arg6[%swap3A_131] {strides = array<i32>} : memref<1792xf32, #tpu.memory_space<vmem>>, vector<16xf32>,
    tpu.vector_store %arg6[%swap3A_131], %broadcast_in_dim3A_3 {strides = array<i32>} : memref<1792xf32, #tpu.memory_space<vmem>>, vector<16xf32>,
    %swap3A_133 = arith.constant 1040 : index
    %swap3A_134 = tpu.vector_load %arg6[%swap3A_133] {strides = array<i32>} : memref<1792xf32, #tpu.memory_space<vmem>>, vector<16xf32>,
    tpu.vector_store %arg6[%swap3A_133], %broadcast_in_dim3A_3 {strides = array<i32>} : memref<1792xf32, #tpu.memory_space<vmem>>, vector<16xf32>,
    %swap3A_135 = arith.constant 1056 : index
    %swap3A_136 = tpu.vector_load %arg6[%swap3A_135] {strides = array<i32>} : memref<1792xf32, #tpu.memory_space<vmem>>, vector<16xf32>,
    tpu.vector_store %arg6[%swap3A_135], %broadcast_in_dim3A_3 {strides = array<i32>} : memref<1792xf32, #tpu.memory_space<vmem>>, vector<16xf32>,
    %swap3A_137 = arith.constant 1072 : index
    %swap3A_138 = tpu.vector_load %arg6[%swap3A_137] {strides = array<i32>} : memref<1792xf32, #tpu.memory_space<vmem>>, vector<16xf32>,
    tpu.vector_store %arg6[%swap3A_137], %broadcast_in_dim3A_3 {strides = array<i32>} : memref<1792xf32, #tpu.memory_space<vmem>>, vector<16xf32>,
    %swap3A_139 = arith.constant 1088 : index
    %swap3A_140 = tpu.vector_load %arg6[%swap3A_139] {strides = array<i32>} : memref<1792xf32, #tpu.memory_space<vmem>>, vector<16xf32>,
    tpu.vector_store %arg6[%swap3A_139], %broadcast_in_dim3A_3 {strides = array<i32>} : memref<1792xf32, #tpu.memory_space<vmem>>, vector<16xf32>,
    %swap3A_141 = arith.constant 1104 : index
    %swap3A_142 = tpu.vector_load %arg6[%swap3A_141] {strides = array<i32>} : memref<1792xf32, #tpu.memory_space<vmem>>, vector<16xf32>,
    tpu.vector_store %arg6[%swap3A_141], %broadcast_in_dim3A_3 {strides = array<i32>} : memref<1792xf32, #tpu.memory_space<vmem>>, vector<16xf32>,
    %swap3A_143 = arith.constant 1120 : index
    %swap3A_144 = tpu.vector_load %arg6[%swap3A_143] {strides = array<i32>} : memref<1792xf32, #tpu.memory_space<vmem>>, vector<16xf32>,
    tpu.vector_store %arg6[%swap3A_143], %broadcast_in_dim3A_3 {strides = array<i32>} : memref<1792xf32, #tpu.memory_space<vmem>>, vector<16xf32>,
    %swap3A_145 = arith.constant 1136 : index
    %swap3A_146 = tpu.vector_load %arg6[%swap3A_145] {strides = array<i32>} : memref<1792xf32, #tpu.memory_space<vmem>>, vector<16xf32>,
    tpu.vector_store %arg6[%swap3A_145], %broadcast_in_dim3A_3 {strides = array<i32>} : memref<1792xf32, #tpu.memory_space<vmem>>, vector<16xf32>,
    %swap3A_147 = arith.constant 1152 : index
    %swap3A_148 = tpu.vector_load %arg6[%swap3A_147] {strides = array<i32>} : memref<1792xf32, #tpu.memory_space<vmem>>, vector<16xf32>,
    tpu.vector_store %arg6[%swap3A_147], %broadcast_in_dim3A_3 {strides = array<i32>} : memref<1792xf32, #tpu.memory_space<vmem>>, vector<16xf32>,
    %swap3A_149 = arith.constant 1168 : index
    %swap3A_150 = tpu.vector_load %arg6[%swap3A_149] {strides = array<i32>} : memref<1792xf32, #tpu.memory_space<vmem>>, vector<16xf32>,
    tpu.vector_store %arg6[%swap3A_149], %broadcast_in_dim3A_3 {strides = array<i32>} : memref<1792xf32, #tpu.memory_space<vmem>>, vector<16xf32>,
    %swap3A_151 = arith.constant 1184 : index
    %swap3A_152 = tpu.vector_load %arg6[%swap3A_151] {strides = array<i32>} : memref<1792xf32, #tpu.memory_space<vmem>>, vector<16xf32>,
    tpu.vector_store %arg6[%swap3A_151], %broadcast_in_dim3A_3 {strides = array<i32>} : memref<1792xf32, #tpu.memory_space<vmem>>, vector<16xf32>,
    %swap3A_153 = arith.constant 1200 : index
    %swap3A_154 = tpu.vector_load %arg6[%swap3A_153] {strides = array<i32>} : memref<1792xf32, #tpu.memory_space<vmem>>, vector<16xf32>,
    tpu.vector_store %arg6[%swap3A_153], %broadcast_in_dim3A_3 {strides = array<i32>} : memref<1792xf32, #tpu.memory_space<vmem>>, vector<16xf32>,
    %swap3A_155 = arith.constant 1216 : index
    %swap3A_156 = tpu.vector_load %arg6[%swap3A_155] {strides = array<i32>} : memref<1792xf32, #tpu.memory_space<vmem>>, vector<16xf32>,
    tpu.vector_store %arg6[%swap3A_155], %broadcast_in_dim3A_3 {strides = array<i32>} : memref<1792xf32, #tpu.memory_space<vmem>>, vector<16xf32>,
    %swap3A_157 = arith.constant 1232 : index
    %swap3A_158 = tpu.vector_load %arg6[%swap3A_157] {strides = array<i32>} : memref<1792xf32, #tpu.memory_space<vmem>>, vector<16xf32>,
    tpu.vector_store %arg6[%swap3A_157], %broadcast_in_dim3A_3 {strides = array<i32>} : memref<1792xf32, #tpu.memory_space<vmem>>, vector<16xf32>,
    %swap3A_159 = arith.constant 1248 : index
    %swap3A_160 = tpu.vector_load %arg6[%swap3A_159] {strides = array<i32>} : memref<1792xf32, #tpu.memory_space<vmem>>, vector<16xf32>,
    tpu.vector_store %arg6[%swap3A_159], %broadcast_in_dim3A_3 {strides = array<i32>} : memref<1792xf32, #tpu.memory_space<vmem>>, vector<16xf32>,
    %swap3A_161 = arith.constant 1264 : index
    %swap3A_162 = tpu.vector_load %arg6[%swap3A_161] {strides = array<i32>} : memref<1792xf32, #tpu.memory_space<vmem>>, vector<16xf32>,
    tpu.vector_store %arg6[%swap3A_161], %broadcast_in_dim3A_3 {strides = array<i32>} : memref<1792xf32, #tpu.memory_space<vmem>>, vector<16xf32>,
    %swap3A_163 = arith.constant 1280 : index
    %swap3A_164 = tpu.vector_load %arg6[%swap3A_163] {strides = array<i32>} : memref<1792xf32, #tpu.memory_space<vmem>>, vector<16xf32>,
    tpu.vector_store %arg6[%swap3A_163], %broadcast_in_dim3A_3 {strides = array<i32>} : memref<1792xf32, #tpu.memory_space<vmem>>, vector<16xf32>,
    %swap3A_165 = arith.constant 1296 : index
    %swap3A_166 = tpu.vector_load %arg6[%swap3A_165] {strides = array<i32>} : memref<1792xf32, #tpu.memory_space<vmem>>, vector<16xf32>,
    tpu.vector_store %arg6[%swap3A_165], %broadcast_in_dim3A_3 {strides = array<i32>} : memref<1792xf32, #tpu.memory_space<vmem>>, vector<16xf32>,
    %swap3A_167 = arith.constant 1312 : index
    %swap3A_168 = tpu.vector_load %arg6[%swap3A_167] {strides = array<i32>} : memref<1792xf32, #tpu.memory_space<vmem>>, vector<16xf32>,
    tpu.vector_store %arg6[%swap3A_167], %broadcast_in_dim3A_3 {strides = array<i32>} : memref<1792xf32, #tpu.memory_space<vmem>>, vector<16xf32>,
    %swap3A_169 = arith.constant 1328 : index
    %swap3A_170 = tpu.vector_load %arg6[%swap3A_169] {strides = array<i32>} : memref<1792xf32, #tpu.memory_space<vmem>>, vector<16xf32>,
    tpu.vector_store %arg6[%swap3A_169], %broadcast_in_dim3A_3 {strides = array<i32>} : memref<1792xf32, #tpu.memory_space<vmem>>, vector<16xf32>,
    %swap3A_171 = arith.constant 1344 : index
    %swap3A_172 = tpu.vector_load %arg6[%swap3A_171] {strides = array<i32>} : memref<1792xf32, #tpu.memory_space<vmem>>, vector<16xf32>,
    tpu.vector_store %arg6[%swap3A_171], %broadcast_in_dim3A_3 {strides = array<i32>} : memref<1792xf32, #tpu.memory_space<vmem>>, vector<16xf32>,
    %swap3A_173 = arith.constant 1360 : index
    %swap3A_174 = tpu.vector_load %arg6[%swap3A_173] {strides = array<i32>} : memref<1792xf32, #tpu.memory_space<vmem>>, vector<16xf32>,
    tpu.vector_store %arg6[%swap3A_173], %broadcast_in_dim3A_3 {strides = array<i32>} : memref<1792xf32, #tpu.memory_space<vmem>>, vector<16xf32>,
    %swap3A_175 = arith.constant 1376 : index
    %swap3A_176 = tpu.vector_load %arg6[%swap3A_175] {strides = array<i32>} : memref<1792xf32, #tpu.memory_space<vmem>>, vector<16xf32>,
    tpu.vector_store %arg6[%swap3A_175], %broadcast_in_dim3A_3 {strides = array<i32>} : memref<1792xf32, #tpu.memory_space<vmem>>, vector<16xf32>,
    %swap3A_177 = arith.constant 1392 : index
    %swap3A_178 = tpu.vector_load %arg6[%swap3A_177] {strides = array<i32>} : memref<1792xf32, #tpu.memory_space<vmem>>, vector<16xf32>,
    tpu.vector_store %arg6[%swap3A_177], %broadcast_in_dim3A_3 {strides = array<i32>} : memref<1792xf32, #tpu.memory_space<vmem>>, vector<16xf32>,
    %swap3A_179 = arith.constant 1408 : index
    %swap3A_180 = tpu.vector_load %arg6[%swap3A_179] {strides = array<i32>} : memref<1792xf32, #tpu.memory_space<vmem>>, vector<16xf32>,
    tpu.vector_store %arg6[%swap3A_179], %broadcast_in_dim3A_3 {strides = array<i32>} : memref<1792xf32, #tpu.memory_space<vmem>>, vector<16xf32>,
    %swap3A_181 = arith.constant 1424 : index
    %swap3A_182 = tpu.vector_load %arg6[%swap3A_181] {strides = array<i32>} : memref<1792xf32, #tpu.memory_space<vmem>>, vector<16xf32>,
    tpu.vector_store %arg6[%swap3A_181], %broadcast_in_dim3A_3 {strides = array<i32>} : memref<1792xf32, #tpu.memory_space<vmem>>, vector<16xf32>,
    %swap3A_183 = arith.constant 1440 : index
    %swap3A_184 = tpu.vector_load %arg6[%swap3A_183] {strides = array<i32>} : memref<1792xf32, #tpu.memory_space<vmem>>, vector<16xf32>,
    tpu.vector_store %arg6[%swap3A_183], %broadcast_in_dim3A_3 {strides = array<i32>} : memref<1792xf32, #tpu.memory_space<vmem>>, vector<16xf32>,
    %swap3A_185 = arith.constant 1456 : index
    %swap3A_186 = tpu.vector_load %arg6[%swap3A_185] {strides = array<i32>} : memref<1792xf32, #tpu.memory_space<vmem>>, vector<16xf32>,
    tpu.vector_store %arg6[%swap3A_185], %broadcast_in_dim3A_3 {strides = array<i32>} : memref<1792xf32, #tpu.memory_space<vmem>>, vector<16xf32>,
    %swap3A_187 = arith.constant 1472 : index
    %swap3A_188 = tpu.vector_load %arg6[%swap3A_187] {strides = array<i32>} : memref<1792xf32, #tpu.memory_space<vmem>>, vector<16xf32>,
    tpu.vector_store %arg6[%swap3A_187], %broadcast_in_dim3A_3 {strides = array<i32>} : memref<1792xf32, #tpu.memory_space<vmem>>, vector<16xf32>,
    %swap3A_189 = arith.constant 1488 : index
    %swap3A_190 = tpu.vector_load %arg6[%swap3A_189] {strides = array<i32>} : memref<1792xf32, #tpu.memory_space<vmem>>, vector<16xf32>,
    tpu.vector_store %arg6[%swap3A_189], %broadcast_in_dim3A_3 {strides = array<i32>} : memref<1792xf32, #tpu.memory_space<vmem>>, vector<16xf32>,
    %swap3A_191 = arith.constant 1504 : index
    %swap3A_192 = tpu.vector_load %arg6[%swap3A_191] {strides = array<i32>} : memref<1792xf32, #tpu.memory_space<vmem>>, vector<16xf32>,
    tpu.vector_store %arg6[%swap3A_191], %broadcast_in_dim3A_3 {strides = array<i32>} : memref<1792xf32, #tpu.memory_space<vmem>>, vector<16xf32>,
    %swap3A_193 = arith.constant 1520 : index
    %swap3A_194 = tpu.vector_load %arg6[%swap3A_193] {strides = array<i32>} : memref<1792xf32, #tpu.memory_space<vmem>>, vector<16xf32>,
    tpu.vector_store %arg6[%swap3A_193], %broadcast_in_dim3A_3 {strides = array<i32>} : memref<1792xf32, #tpu.memory_space<vmem>>, vector<16xf32>,
    %swap3A_195 = arith.constant 1536 : index
    %swap3A_196 = tpu.vector_load %arg6[%swap3A_195] {strides = array<i32>} : memref<1792xf32, #tpu.memory_space<vmem>>, vector<16xf32>,
    tpu.vector_store %arg6[%swap3A_195], %broadcast_in_dim3A_3 {strides = array<i32>} : memref<1792xf32, #tpu.memory_space<vmem>>, vector<16xf32>,
    %swap3A_197 = arith.constant 1552 : index
    %swap3A_198 = tpu.vector_load %arg6[%swap3A_197] {strides = array<i32>} : memref<1792xf32, #tpu.memory_space<vmem>>, vector<16xf32>,
    tpu.vector_store %arg6[%swap3A_197], %broadcast_in_dim3A_3 {strides = array<i32>} : memref<1792xf32, #tpu.memory_space<vmem>>, vector<16xf32>,
    %swap3A_199 = arith.constant 1568 : index
    %swap3A_200 = tpu.vector_load %arg6[%swap3A_199] {strides = array<i32>} : memref<1792xf32, #tpu.memory_space<vmem>>, vector<16xf32>,
    tpu.vector_store %arg6[%swap3A_199], %broadcast_in_dim3A_3 {strides = array<i32>} : memref<1792xf32, #tpu.memory_space<vmem>>, vector<16xf32>,
    %swap3A_201 = arith.constant 1584 : index
    %swap3A_202 = tpu.vector_load %arg6[%swap3A_201] {strides = array<i32>} : memref<1792xf32, #tpu.memory_space<vmem>>, vector<16xf32>,
    tpu.vector_store %arg6[%swap3A_201], %broadcast_in_dim3A_3 {strides = array<i32>} : memref<1792xf32, #tpu.memory_space<vmem>>, vector<16xf32>,
    %swap3A_203 = arith.constant 1600 : index
    %swap3A_204 = tpu.vector_load %arg6[%swap3A_203] {strides = array<i32>} : memref<1792xf32, #tpu.memory_space<vmem>>, vector<16xf32>,
    tpu.vector_store %arg6[%swap3A_203], %broadcast_in_dim3A_3 {strides = array<i32>} : memref<1792xf32, #tpu.memory_space<vmem>>, vector<16xf32>,
    %swap3A_205 = arith.constant 1616 : index
    %swap3A_206 = tpu.vector_load %arg6[%swap3A_205] {strides = array<i32>} : memref<1792xf32, #tpu.memory_space<vmem>>, vector<16xf32>,
    tpu.vector_store %arg6[%swap3A_205], %broadcast_in_dim3A_3 {strides = array<i32>} : memref<1792xf32, #tpu.memory_space<vmem>>, vector<16xf32>,
    %swap3A_207 = arith.constant 1632 : index
    %swap3A_208 = tpu.vector_load %arg6[%swap3A_207] {strides = array<i32>} : memref<1792xf32, #tpu.memory_space<vmem>>, vector<16xf32>,
    tpu.vector_store %arg6[%swap3A_207], %broadcast_in_dim3A_3 {strides = array<i32>} : memref<1792xf32, #tpu.memory_space<vmem>>, vector<16xf32>,
    %swap3A_209 = arith.constant 1648 : index
    %swap3A_210 = tpu.vector_load %arg6[%swap3A_209] {strides = array<i32>} : memref<1792xf32, #tpu.memory_space<vmem>>, vector<16xf32>,
    tpu.vector_store %arg6[%swap3A_209], %broadcast_in_dim3A_3 {strides = array<i32>} : memref<1792xf32, #tpu.memory_space<vmem>>, vector<16xf32>,
    %swap3A_211 = arith.constant 1664 : index
    %swap3A_212 = tpu.vector_load %arg6[%swap3A_211] {strides = array<i32>} : memref<1792xf32, #tpu.memory_space<vmem>>, vector<16xf32>,
    tpu.vector_store %arg6[%swap3A_211], %broadcast_in_dim3A_3 {strides = array<i32>} : memref<1792xf32, #tpu.memory_space<vmem>>, vector<16xf32>,
    %swap3A_213 = arith.constant 1680 : index
    %swap3A_214 = tpu.vector_load %arg6[%swap3A_213] {strides = array<i32>} : memref<1792xf32, #tpu.memory_space<vmem>>, vector<16xf32>,
    tpu.vector_store %arg6[%swap3A_213], %broadcast_in_dim3A_3 {strides = array<i32>} : memref<1792xf32, #tpu.memory_space<vmem>>, vector<16xf32>,
    %swap3A_215 = arith.constant 1696 : index
    %swap3A_216 = tpu.vector_load %arg6[%swap3A_215] {strides = array<i32>} : memref<1792xf32, #tpu.memory_space<vmem>>, vector<16xf32>,
    tpu.vector_store %arg6[%swap3A_215], %broadcast_in_dim3A_3 {strides = array<i32>} : memref<1792xf32, #tpu.memory_space<vmem>>, vector<16xf32>,
    %swap3A_217 = arith.constant 1712 : index
    %swap3A_218 = tpu.vector_load %arg6[%swap3A_217] {strides = array<i32>} : memref<1792xf32, #tpu.memory_space<vmem>>, vector<16xf32>,
    tpu.vector_store %arg6[%swap3A_217], %broadcast_in_dim3A_3 {strides = array<i32>} : memref<1792xf32, #tpu.memory_space<vmem>>, vector<16xf32>,
    %swap3A_219 = arith.constant 1728 : index
    %swap3A_220 = tpu.vector_load %arg6[%swap3A_219] {strides = array<i32>} : memref<1792xf32, #tpu.memory_space<vmem>>, vector<16xf32>,
    tpu.vector_store %arg6[%swap3A_219], %broadcast_in_dim3A_3 {strides = array<i32>} : memref<1792xf32, #tpu.memory_space<vmem>>, vector<16xf32>,
    %swap3A_221 = arith.constant 1744 : index
    %swap3A_222 = tpu.vector_load %arg6[%swap3A_221] {strides = array<i32>} : memref<1792xf32, #tpu.memory_space<vmem>>, vector<16xf32>,
    tpu.vector_store %arg6[%swap3A_221], %broadcast_in_dim3A_3 {strides = array<i32>} : memref<1792xf32, #tpu.memory_space<vmem>>, vector<16xf32>,
    %swap3A_223 = arith.constant 1760 : index
    %swap3A_224 = tpu.vector_load %arg6[%swap3A_223] {strides = array<i32>} : memref<1792xf32, #tpu.memory_space<vmem>>, vector<16xf32>,
    tpu.vector_store %arg6[%swap3A_223], %broadcast_in_dim3A_3 {strides = array<i32>} : memref<1792xf32, #tpu.memory_space<vmem>>, vector<16xf32>,
    %swap3A_225 = arith.constant 1776 : index
    %swap3A_226 = tpu.vector_load %arg6[%swap3A_225] {strides = array<i32>} : memref<1792xf32, #tpu.memory_space<vmem>>, vector<16xf32>,
    tpu.vector_store %arg6[%swap3A_225], %broadcast_in_dim3A_3 {strides = array<i32>} : memref<1792xf32, #tpu.memory_space<vmem>>, vector<16xf32>,
    %iota3A = tpu.iota {dimensions = array<i32: 0>} : vector<16xi32>
    %broadcast_in_dim3A_227 = arith.constant 1.000000e+00 : f32
    %broadcast_in_dim3A_228 = vector.broadcast %broadcast_in_dim3A_227 : f32 to vector<16xf32>
    %dma_start3A = tpu.memref_slice %arg2[%mul3A_2] : memref<1048576xi32, #tpu.memory_space<hbm>> -> memref<8192xi32, #tpu.memory_space<hbm>>
    %dma_start3A_229 = tpu.memref_slice %arg2[%mul3A_2] : memref<1048576xi32, #tpu.memory_space<hbm>> -> memref<8192xi32, #tpu.memory_space<hbm>>
    tpu.enqueue_dma source(%dma_start3A_229 : memref<8192xi32, #tpu.memory_space<hbm>>) target(%arg4 : memref<8192xi32, #tpu.memory_space<vmem>>) target_semaphore(%arg7 : memref<!tpu.dma_semaphore, #tpu.memory_space<semaphore_mem>>)
    %add3A_230 = arith.constant 8192 : i32
    %add3A_231 = arith.addi %mul3A_2, %add3A_230 : i32
    %dma_start3A_232 = tpu.memref_slice %arg2[%add3A_231] : memref<1048576xi32, #tpu.memory_space<hbm>> -> memref<8192xi32, #tpu.memory_space<hbm>>
    %dma_start3A_233 = tpu.memref_slice %arg2[%add3A_231] : memref<1048576xi32, #tpu.memory_space<hbm>> -> memref<8192xi32, #tpu.memory_space<hbm>>
    tpu.enqueue_dma source(%dma_start3A_233 : memref<8192xi32, #tpu.memory_space<hbm>>) target(%arg5 : memref<8192xi32, #tpu.memory_space<vmem>>) target_semaphore(%arg8 : memref<!tpu.dma_semaphore, #tpu.memory_space<semaphore_mem>>)
    %dma_wait3A = tpu.memref_slice %arg2[%mul3A_2] : memref<1048576xi32, #tpu.memory_space<hbm>> -> memref<8192xi32, #tpu.memory_space<hbm>>
    %dma_wait3A_234 = tpu.memref_slice %arg2[%mul3A_2] : memref<1048576xi32, #tpu.memory_space<hbm>> -> memref<8192xi32, #tpu.memory_space<hbm>>
    tpu.wait_dma2 semaphore(%arg7 : memref<!tpu.dma_semaphore, #tpu.memory_space<semaphore_mem>>) src(%dma_wait3A_234 : memref<8192xi32, #tpu.memory_space<hbm>>) dst(%arg4 : memref<8192xi32, #tpu.memory_space<vmem>>)
    %scan3A = arith.constant 0 : i32
    %scan3A_235 = arith.constant 0 : i32
    %scan3A_236 = arith.constant 512 : i32
    %scan3A_237 = arith.addi %scan3A_235, %scan3A_236 : i32
    %scan3A_238 = arith.constant 1 : i32
    scf.for %scan3A_274 = %scan3A_235 to %scan3A_237 step %scan3A_238  : i32 {
      %mul3A_275 = arith.constant 16 : i32
      %mul3A_276 = arith.muli %scan3A_274, %mul3A_275 : i32
      %get3A = arith.index_cast %mul3A_276 : i32 to index
      %get3A_277 = tpu.vector_load %arg4[%get3A] {strides = array<i32>} : memref<8192xi32, #tpu.memory_space<vmem>>, vector<16xi32>,
      %and3A = arith.constant 15 : i32
      %and3A_278 = vector.broadcast %and3A : i32 to vector<16xi32>
      %and3A_279 = arith.andi %get3A_277, %and3A_278 : vector<16xi32>
      %shift_left3A = arith.constant 4 : i32
      %shift_left3A_280 = vector.broadcast %shift_left3A : i32 to vector<16xi32>
      %shift_left3A_281 = arith.shli %and3A_279, %shift_left3A_280 : vector<16xi32>
      %add3A_282 = arith.addi %shift_left3A_281, %iota3A : vector<16xi32>
      tpu.vector_store_idx %arg6[%add3A_282], %broadcast_in_dim3A_228 {add = true} : memref<1792xf32, #tpu.memory_space<vmem>>[vector<16xi32>], vector<16xf32>,
      %shift_right_arithmetic3A = arith.constant 0 : i32
      %shift_right_arithmetic3A_283 = vector.broadcast %shift_right_arithmetic3A : i32 to vector<16xi32>
      %shift_right_arithmetic3A_284 = arith.shrsi %get3A_277, %shift_right_arithmetic3A_283 : vector<16xi32>
      %and3A_285 = arith.constant 240 : i32
      %and3A_286 = vector.broadcast %and3A_285 : i32 to vector<16xi32>
      %and3A_287 = arith.andi %shift_right_arithmetic3A_284, %and3A_286 : vector<16xi32>
      %add3A_288 = arith.constant 256 : i32
      %add3A_289 = vector.broadcast %add3A_288 : i32 to vector<16xi32>
      %add3A_290 = arith.addi %iota3A, %add3A_289 : vector<16xi32>
      %add3A_291 = arith.addi %and3A_287, %add3A_290 : vector<16xi32>
      tpu.vector_store_idx %arg6[%add3A_291], %broadcast_in_dim3A_228 {add = true} : memref<1792xf32, #tpu.memory_space<vmem>>[vector<16xi32>], vector<16xf32>,
      %shift_right_arithmetic3A_292 = arith.constant 4 : i32
      %shift_right_arithmetic3A_293 = vector.broadcast %shift_right_arithmetic3A_292 : i32 to vector<16xi32>
      %shift_right_arithmetic3A_294 = arith.shrsi %get3A_277, %shift_right_arithmetic3A_293 : vector<16xi32>
      %and3A_295 = arith.constant 240 : i32
      %and3A_296 = vector.broadcast %and3A_295 : i32 to vector<16xi32>
      %and3A_297 = arith.andi %shift_right_arithmetic3A_294, %and3A_296 : vector<16xi32>
      %add3A_298 = arith.constant 512 : i32
      %add3A_299 = vector.broadcast %add3A_298 : i32 to vector<16xi32>
      %add3A_300 = arith.addi %iota3A, %add3A_299 : vector<16xi32>
      %add3A_301 = arith.addi %and3A_297, %add3A_300 : vector<16xi32>
      tpu.vector_store_idx %arg6[%add3A_301], %broadcast_in_dim3A_228 {add = true} : memref<1792xf32, #tpu.memory_space<vmem>>[vector<16xi32>], vector<16xf32>,
      %shift_right_arithmetic3A_302 = arith.constant 8 : i32
      %shift_right_arithmetic3A_303 = vector.broadcast %shift_right_arithmetic3A_302 : i32 to vector<16xi32>
      %shift_right_arithmetic3A_304 = arith.shrsi %get3A_277, %shift_right_arithmetic3A_303 : vector<16xi32>
      %and3A_305 = arith.constant 240 : i32
      %and3A_306 = vector.broadcast %and3A_305 : i32 to vector<16xi32>
      %and3A_307 = arith.andi %shift_right_arithmetic3A_304, %and3A_306 : vector<16xi32>
      %add3A_308 = arith.constant 768 : i32
      %add3A_309 = vector.broadcast %add3A_308 : i32 to vector<16xi32>
      %add3A_310 = arith.addi %iota3A, %add3A_309 : vector<16xi32>
      %add3A_311 = arith.addi %and3A_307, %add3A_310 : vector<16xi32>
      tpu.vector_store_idx %arg6[%add3A_311], %broadcast_in_dim3A_228 {add = true} : memref<1792xf32, #tpu.memory_space<vmem>>[vector<16xi32>], vector<16xf32>,
      %shift_right_arithmetic3A_312 = arith.constant 12 : i32
      %shift_right_arithmetic3A_313 = vector.broadcast %shift_right_arithmetic3A_312 : i32 to vector<16xi32>
      %shift_right_arithmetic3A_314 = arith.shrsi %get3A_277, %shift_right_arithmetic3A_313 : vector<16xi32>
      %and3A_315 = arith.constant 240 : i32
      %and3A_316 = vector.broadcast %and3A_315 : i32 to vector<16xi32>
      %and3A_317 = arith.andi %shift_right_arithmetic3A_314, %and3A_316 : vector<16xi32>
      %add3A_318 = arith.constant 1024 : i32
      %add3A_319 = vector.broadcast %add3A_318 : i32 to vector<16xi32>
      %add3A_320 = arith.addi %iota3A, %add3A_319 : vector<16xi32>
      %add3A_321 = arith.addi %and3A_317, %add3A_320 : vector<16xi32>
      tpu.vector_store_idx %arg6[%add3A_321], %broadcast_in_dim3A_228 {add = true} : memref<1792xf32, #tpu.memory_space<vmem>>[vector<16xi32>], vector<16xf32>,
      %shift_right_arithmetic3A_322 = arith.constant 16 : i32
      %shift_right_arithmetic3A_323 = vector.broadcast %shift_right_arithmetic3A_322 : i32 to vector<16xi32>
      %shift_right_arithmetic3A_324 = arith.shrsi %get3A_277, %shift_right_arithmetic3A_323 : vector<16xi32>
      %and3A_325 = arith.constant 496 : i32
      %and3A_326 = vector.broadcast %and3A_325 : i32 to vector<16xi32>
      %and3A_327 = arith.andi %shift_right_arithmetic3A_324, %and3A_326 : vector<16xi32>
      %add3A_328 = arith.constant 1280 : i32
      %add3A_329 = vector.broadcast %add3A_328 : i32 to vector<16xi32>
      %add3A_330 = arith.addi %iota3A, %add3A_329 : vector<16xi32>
      %add3A_331 = arith.addi %and3A_327, %add3A_330 : vector<16xi32>
      tpu.vector_store_idx %arg6[%add3A_331], %broadcast_in_dim3A_228 {add = true} : memref<1792xf32, #tpu.memory_space<vmem>>[vector<16xi32>], vector<16xf32>,
    }
    %scan3A_239 = arith.constant 512 : i32
    %add3A_240 = arith.constant 16384 : i32
    %add3A_241 = arith.addi %mul3A_2, %add3A_240 : i32
    %dma_start3A_242 = tpu.memref_slice %arg2[%add3A_241] : memref<1048576xi32, #tpu.memory_space<hbm>> -> memref<8192xi32, #tpu.memory_space<hbm>>
    %dma_start3A_243 = tpu.memref_slice %arg2[%add3A_241] : memref<1048576xi32, #tpu.memory_space<hbm>> -> memref<8192xi32, #tpu.memory_space<hbm>>
    tpu.enqueue_dma source(%dma_start3A_243 : memref<8192xi32, #tpu.memory_space<hbm>>) target(%arg4 : memref<8192xi32, #tpu.memory_space<vmem>>) target_semaphore(%arg7 : memref<!tpu.dma_semaphore, #tpu.memory_space<semaphore_mem>>)
    %dma_wait3A_244 = tpu.memref_slice %arg2[%add3A_231] : memref<1048576xi32, #tpu.memory_space<hbm>> -> memref<8192xi32, #tpu.memory_space<hbm>>
    %dma_wait3A_245 = tpu.memref_slice %arg2[%add3A_231] : memref<1048576xi32, #tpu.memory_space<hbm>> -> memref<8192xi32, #tpu.memory_space<hbm>>
    tpu.wait_dma2 semaphore(%arg8 : memref<!tpu.dma_semaphore, #tpu.memory_space<semaphore_mem>>) src(%dma_wait3A_245 : memref<8192xi32, #tpu.memory_space<hbm>>) dst(%arg5 : memref<8192xi32, #tpu.memory_space<vmem>>)
    %scan3A_246 = arith.constant 0 : i32
    %scan3A_247 = arith.constant 0 : i32
    %scan3A_248 = arith.constant 512 : i32
    %scan3A_249 = arith.addi %scan3A_247, %scan3A_248 : i32
    %scan3A_250 = arith.constant 1 : i32
    scf.for %scan3A_274 = %scan3A_247 to %scan3A_249 step %scan3A_250  : i32 {
      %mul3A_275 = arith.constant 16 : i32
      %mul3A_276 = arith.muli %scan3A_274, %mul3A_275 : i32
      %get3A = arith.index_cast %mul3A_276 : i32 to index
      %get3A_277 = tpu.vector_load %arg5[%get3A] {strides = array<i32>} : memref<8192xi32, #tpu.memory_space<vmem>>, vector<16xi32>,
      %and3A = arith.constant 15 : i32
      %and3A_278 = vector.broadcast %and3A : i32 to vector<16xi32>
      %and3A_279 = arith.andi %get3A_277, %and3A_278 : vector<16xi32>
      %shift_left3A = arith.constant 4 : i32
      %shift_left3A_280 = vector.broadcast %shift_left3A : i32 to vector<16xi32>
      %shift_left3A_281 = arith.shli %and3A_279, %shift_left3A_280 : vector<16xi32>
      %add3A_282 = arith.addi %shift_left3A_281, %iota3A : vector<16xi32>
      tpu.vector_store_idx %arg6[%add3A_282], %broadcast_in_dim3A_228 {add = true} : memref<1792xf32, #tpu.memory_space<vmem>>[vector<16xi32>], vector<16xf32>,
      %shift_right_arithmetic3A = arith.constant 0 : i32
      %shift_right_arithmetic3A_283 = vector.broadcast %shift_right_arithmetic3A : i32 to vector<16xi32>
      %shift_right_arithmetic3A_284 = arith.shrsi %get3A_277, %shift_right_arithmetic3A_283 : vector<16xi32>
      %and3A_285 = arith.constant 240 : i32
      %and3A_286 = vector.broadcast %and3A_285 : i32 to vector<16xi32>
      %and3A_287 = arith.andi %shift_right_arithmetic3A_284, %and3A_286 : vector<16xi32>
      %add3A_288 = arith.constant 256 : i32
      %add3A_289 = vector.broadcast %add3A_288 : i32 to vector<16xi32>
      %add3A_290 = arith.addi %iota3A, %add3A_289 : vector<16xi32>
      %add3A_291 = arith.addi %and3A_287, %add3A_290 : vector<16xi32>
      tpu.vector_store_idx %arg6[%add3A_291], %broadcast_in_dim3A_228 {add = true} : memref<1792xf32, #tpu.memory_space<vmem>>[vector<16xi32>], vector<16xf32>,
      %shift_right_arithmetic3A_292 = arith.constant 4 : i32
      %shift_right_arithmetic3A_293 = vector.broadcast %shift_right_arithmetic3A_292 : i32 to vector<16xi32>
      %shift_right_arithmetic3A_294 = arith.shrsi %get3A_277, %shift_right_arithmetic3A_293 : vector<16xi32>
      %and3A_295 = arith.constant 240 : i32
      %and3A_296 = vector.broadcast %and3A_295 : i32 to vector<16xi32>
      %and3A_297 = arith.andi %shift_right_arithmetic3A_294, %and3A_296 : vector<16xi32>
      %add3A_298 = arith.constant 512 : i32
      %add3A_299 = vector.broadcast %add3A_298 : i32 to vector<16xi32>
      %add3A_300 = arith.addi %iota3A, %add3A_299 : vector<16xi32>
      %add3A_301 = arith.addi %and3A_297, %add3A_300 : vector<16xi32>
      tpu.vector_store_idx %arg6[%add3A_301], %broadcast_in_dim3A_228 {add = true} : memref<1792xf32, #tpu.memory_space<vmem>>[vector<16xi32>], vector<16xf32>,
      %shift_right_arithmetic3A_302 = arith.constant 8 : i32
      %shift_right_arithmetic3A_303 = vector.broadcast %shift_right_arithmetic3A_302 : i32 to vector<16xi32>
      %shift_right_arithmetic3A_304 = arith.shrsi %get3A_277, %shift_right_arithmetic3A_303 : vector<16xi32>
      %and3A_305 = arith.constant 240 : i32
      %and3A_306 = vector.broadcast %and3A_305 : i32 to vector<16xi32>
      %and3A_307 = arith.andi %shift_right_arithmetic3A_304, %and3A_306 : vector<16xi32>
      %add3A_308 = arith.constant 768 : i32
      %add3A_309 = vector.broadcast %add3A_308 : i32 to vector<16xi32>
      %add3A_310 = arith.addi %iota3A, %add3A_309 : vector<16xi32>
      %add3A_311 = arith.addi %and3A_307, %add3A_310 : vector<16xi32>
      tpu.vector_store_idx %arg6[%add3A_311], %broadcast_in_dim3A_228 {add = true} : memref<1792xf32, #tpu.memory_space<vmem>>[vector<16xi32>], vector<16xf32>,
      %shift_right_arithmetic3A_312 = arith.constant 12 : i32
      %shift_right_arithmetic3A_313 = vector.broadcast %shift_right_arithmetic3A_312 : i32 to vector<16xi32>
      %shift_right_arithmetic3A_314 = arith.shrsi %get3A_277, %shift_right_arithmetic3A_313 : vector<16xi32>
      %and3A_315 = arith.constant 240 : i32
      %and3A_316 = vector.broadcast %and3A_315 : i32 to vector<16xi32>
      %and3A_317 = arith.andi %shift_right_arithmetic3A_314, %and3A_316 : vector<16xi32>
      %add3A_318 = arith.constant 1024 : i32
      %add3A_319 = vector.broadcast %add3A_318 : i32 to vector<16xi32>
      %add3A_320 = arith.addi %iota3A, %add3A_319 : vector<16xi32>
      %add3A_321 = arith.addi %and3A_317, %add3A_320 : vector<16xi32>
      tpu.vector_store_idx %arg6[%add3A_321], %broadcast_in_dim3A_228 {add = true} : memref<1792xf32, #tpu.memory_space<vmem>>[vector<16xi32>], vector<16xf32>,
      %shift_right_arithmetic3A_322 = arith.constant 16 : i32
      %shift_right_arithmetic3A_323 = vector.broadcast %shift_right_arithmetic3A_322 : i32 to vector<16xi32>
      %shift_right_arithmetic3A_324 = arith.shrsi %get3A_277, %shift_right_arithmetic3A_323 : vector<16xi32>
      %and3A_325 = arith.constant 496 : i32
      %and3A_326 = vector.broadcast %and3A_325 : i32 to vector<16xi32>
      %and3A_327 = arith.andi %shift_right_arithmetic3A_324, %and3A_326 : vector<16xi32>
      %add3A_328 = arith.constant 1280 : i32
      %add3A_329 = vector.broadcast %add3A_328 : i32 to vector<16xi32>
      %add3A_330 = arith.addi %iota3A, %add3A_329 : vector<16xi32>
      %add3A_331 = arith.addi %and3A_327, %add3A_330 : vector<16xi32>
      tpu.vector_store_idx %arg6[%add3A_331], %broadcast_in_dim3A_228 {add = true} : memref<1792xf32, #tpu.memory_space<vmem>>[vector<16xi32>], vector<16xf32>,
    }
    %scan3A_251 = arith.constant 512 : i32
    %add3A_252 = arith.constant 24576 : i32
    %add3A_253 = arith.addi %mul3A_2, %add3A_252 : i32
    %dma_start3A_254 = tpu.memref_slice %arg2[%add3A_253] : memref<1048576xi32, #tpu.memory_space<hbm>> -> memref<8192xi32, #tpu.memory_space<hbm>>
    %dma_start3A_255 = tpu.memref_slice %arg2[%add3A_253] : memref<1048576xi32, #tpu.memory_space<hbm>> -> memref<8192xi32, #tpu.memory_space<hbm>>
    tpu.enqueue_dma source(%dma_start3A_255 : memref<8192xi32, #tpu.memory_space<hbm>>) target(%arg5 : memref<8192xi32, #tpu.memory_space<vmem>>) target_semaphore(%arg8 : memref<!tpu.dma_semaphore, #tpu.memory_space<semaphore_mem>>)
    %dma_wait3A_256 = tpu.memref_slice %arg2[%add3A_241] : memref<1048576xi32, #tpu.memory_space<hbm>> -> memref<8192xi32, #tpu.memory_space<hbm>>
    %dma_wait3A_257 = tpu.memref_slice %arg2[%add3A_241] : memref<1048576xi32, #tpu.memory_space<hbm>> -> memref<8192xi32, #tpu.memory_space<hbm>>
    tpu.wait_dma2 semaphore(%arg7 : memref<!tpu.dma_semaphore, #tpu.memory_space<semaphore_mem>>) src(%dma_wait3A_257 : memref<8192xi32, #tpu.memory_space<hbm>>) dst(%arg4 : memref<8192xi32, #tpu.memory_space<vmem>>)
    %scan3A_258 = arith.constant 0 : i32
    %scan3A_259 = arith.constant 0 : i32
    %scan3A_260 = arith.constant 512 : i32
    %scan3A_261 = arith.addi %scan3A_259, %scan3A_260 : i32
    %scan3A_262 = arith.constant 1 : i32
    scf.for %scan3A_274 = %scan3A_259 to %scan3A_261 step %scan3A_262  : i32 {
      %mul3A_275 = arith.constant 16 : i32
      %mul3A_276 = arith.muli %scan3A_274, %mul3A_275 : i32
      %get3A = arith.index_cast %mul3A_276 : i32 to index
      %get3A_277 = tpu.vector_load %arg4[%get3A] {strides = array<i32>} : memref<8192xi32, #tpu.memory_space<vmem>>, vector<16xi32>,
      %and3A = arith.constant 15 : i32
      %and3A_278 = vector.broadcast %and3A : i32 to vector<16xi32>
      %and3A_279 = arith.andi %get3A_277, %and3A_278 : vector<16xi32>
      %shift_left3A = arith.constant 4 : i32
      %shift_left3A_280 = vector.broadcast %shift_left3A : i32 to vector<16xi32>
      %shift_left3A_281 = arith.shli %and3A_279, %shift_left3A_280 : vector<16xi32>
      %add3A_282 = arith.addi %shift_left3A_281, %iota3A : vector<16xi32>
      tpu.vector_store_idx %arg6[%add3A_282], %broadcast_in_dim3A_228 {add = true} : memref<1792xf32, #tpu.memory_space<vmem>>[vector<16xi32>], vector<16xf32>,
      %shift_right_arithmetic3A = arith.constant 0 : i32
      %shift_right_arithmetic3A_283 = vector.broadcast %shift_right_arithmetic3A : i32 to vector<16xi32>
      %shift_right_arithmetic3A_284 = arith.shrsi %get3A_277, %shift_right_arithmetic3A_283 : vector<16xi32>
      %and3A_285 = arith.constant 240 : i32
      %and3A_286 = vector.broadcast %and3A_285 : i32 to vector<16xi32>
      %and3A_287 = arith.andi %shift_right_arithmetic3A_284, %and3A_286 : vector<16xi32>
      %add3A_288 = arith.constant 256 : i32
      %add3A_289 = vector.broadcast %add3A_288 : i32 to vector<16xi32>
      %add3A_290 = arith.addi %iota3A, %add3A_289 : vector<16xi32>
      %add3A_291 = arith.addi %and3A_287, %add3A_290 : vector<16xi32>
      tpu.vector_store_idx %arg6[%add3A_291], %broadcast_in_dim3A_228 {add = true} : memref<1792xf32, #tpu.memory_space<vmem>>[vector<16xi32>], vector<16xf32>,
      %shift_right_arithmetic3A_292 = arith.constant 4 : i32
      %shift_right_arithmetic3A_293 = vector.broadcast %shift_right_arithmetic3A_292 : i32 to vector<16xi32>
      %shift_right_arithmetic3A_294 = arith.shrsi %get3A_277, %shift_right_arithmetic3A_293 : vector<16xi32>
      %and3A_295 = arith.constant 240 : i32
      %and3A_296 = vector.broadcast %and3A_295 : i32 to vector<16xi32>
      %and3A_297 = arith.andi %shift_right_arithmetic3A_294, %and3A_296 : vector<16xi32>
      %add3A_298 = arith.constant 512 : i32
      %add3A_299 = vector.broadcast %add3A_298 : i32 to vector<16xi32>
      %add3A_300 = arith.addi %iota3A, %add3A_299 : vector<16xi32>
      %add3A_301 = arith.addi %and3A_297, %add3A_300 : vector<16xi32>
      tpu.vector_store_idx %arg6[%add3A_301], %broadcast_in_dim3A_228 {add = true} : memref<1792xf32, #tpu.memory_space<vmem>>[vector<16xi32>], vector<16xf32>,
      %shift_right_arithmetic3A_302 = arith.constant 8 : i32
      %shift_right_arithmetic3A_303 = vector.broadcast %shift_right_arithmetic3A_302 : i32 to vector<16xi32>
      %shift_right_arithmetic3A_304 = arith.shrsi %get3A_277, %shift_right_arithmetic3A_303 : vector<16xi32>
      %and3A_305 = arith.constant 240 : i32
      %and3A_306 = vector.broadcast %and3A_305 : i32 to vector<16xi32>
      %and3A_307 = arith.andi %shift_right_arithmetic3A_304, %and3A_306 : vector<16xi32>
      %add3A_308 = arith.constant 768 : i32
      %add3A_309 = vector.broadcast %add3A_308 : i32 to vector<16xi32>
      %add3A_310 = arith.addi %iota3A, %add3A_309 : vector<16xi32>
      %add3A_311 = arith.addi %and3A_307, %add3A_310 : vector<16xi32>
      tpu.vector_store_idx %arg6[%add3A_311], %broadcast_in_dim3A_228 {add = true} : memref<1792xf32, #tpu.memory_space<vmem>>[vector<16xi32>], vector<16xf32>,
      %shift_right_arithmetic3A_312 = arith.constant 12 : i32
      %shift_right_arithmetic3A_313 = vector.broadcast %shift_right_arithmetic3A_312 : i32 to vector<16xi32>
      %shift_right_arithmetic3A_314 = arith.shrsi %get3A_277, %shift_right_arithmetic3A_313 : vector<16xi32>
      %and3A_315 = arith.constant 240 : i32
      %and3A_316 = vector.broadcast %and3A_315 : i32 to vector<16xi32>
      %and3A_317 = arith.andi %shift_right_arithmetic3A_314, %and3A_316 : vector<16xi32>
      %add3A_318 = arith.constant 1024 : i32
      %add3A_319 = vector.broadcast %add3A_318 : i32 to vector<16xi32>
      %add3A_320 = arith.addi %iota3A, %add3A_319 : vector<16xi32>
      %add3A_321 = arith.addi %and3A_317, %add3A_320 : vector<16xi32>
      tpu.vector_store_idx %arg6[%add3A_321], %broadcast_in_dim3A_228 {add = true} : memref<1792xf32, #tpu.memory_space<vmem>>[vector<16xi32>], vector<16xf32>,
      %shift_right_arithmetic3A_322 = arith.constant 16 : i32
      %shift_right_arithmetic3A_323 = vector.broadcast %shift_right_arithmetic3A_322 : i32 to vector<16xi32>
      %shift_right_arithmetic3A_324 = arith.shrsi %get3A_277, %shift_right_arithmetic3A_323 : vector<16xi32>
      %and3A_325 = arith.constant 496 : i32
      %and3A_326 = vector.broadcast %and3A_325 : i32 to vector<16xi32>
      %and3A_327 = arith.andi %shift_right_arithmetic3A_324, %and3A_326 : vector<16xi32>
      %add3A_328 = arith.constant 1280 : i32
      %add3A_329 = vector.broadcast %add3A_328 : i32 to vector<16xi32>
      %add3A_330 = arith.addi %iota3A, %add3A_329 : vector<16xi32>
      %add3A_331 = arith.addi %and3A_327, %add3A_330 : vector<16xi32>
      tpu.vector_store_idx %arg6[%add3A_331], %broadcast_in_dim3A_228 {add = true} : memref<1792xf32, #tpu.memory_space<vmem>>[vector<16xi32>], vector<16xf32>,
    }
    %scan3A_263 = arith.constant 512 : i32
    %dma_wait3A_264 = tpu.memref_slice %arg2[%add3A_253] : memref<1048576xi32, #tpu.memory_space<hbm>> -> memref<8192xi32, #tpu.memory_space<hbm>>
    %dma_wait3A_265 = tpu.memref_slice %arg2[%add3A_253] : memref<1048576xi32, #tpu.memory_space<hbm>> -> memref<8192xi32, #tpu.memory_space<hbm>>
    tpu.wait_dma2 semaphore(%arg8 : memref<!tpu.dma_semaphore, #tpu.memory_space<semaphore_mem>>) src(%dma_wait3A_265 : memref<8192xi32, #tpu.memory_space<hbm>>) dst(%arg5 : memref<8192xi32, #tpu.memory_space<vmem>>)
    %scan3A_266 = arith.constant 0 : i32
    %scan3A_267 = arith.constant 0 : i32
    %scan3A_268 = arith.constant 512 : i32
    %scan3A_269 = arith.addi %scan3A_267, %scan3A_268 : i32
    %scan3A_270 = arith.constant 1 : i32
    scf.for %scan3A_274 = %scan3A_267 to %scan3A_269 step %scan3A_270  : i32 {
      %mul3A_275 = arith.constant 16 : i32
      %mul3A_276 = arith.muli %scan3A_274, %mul3A_275 : i32
      %get3A = arith.index_cast %mul3A_276 : i32 to index
      %get3A_277 = tpu.vector_load %arg5[%get3A] {strides = array<i32>} : memref<8192xi32, #tpu.memory_space<vmem>>, vector<16xi32>,
      %and3A = arith.constant 15 : i32
      %and3A_278 = vector.broadcast %and3A : i32 to vector<16xi32>
      %and3A_279 = arith.andi %get3A_277, %and3A_278 : vector<16xi32>
      %shift_left3A = arith.constant 4 : i32
      %shift_left3A_280 = vector.broadcast %shift_left3A : i32 to vector<16xi32>
      %shift_left3A_281 = arith.shli %and3A_279, %shift_left3A_280 : vector<16xi32>
      %add3A_282 = arith.addi %shift_left3A_281, %iota3A : vector<16xi32>
      tpu.vector_store_idx %arg6[%add3A_282], %broadcast_in_dim3A_228 {add = true} : memref<1792xf32, #tpu.memory_space<vmem>>[vector<16xi32>], vector<16xf32>,
      %shift_right_arithmetic3A = arith.constant 0 : i32
      %shift_right_arithmetic3A_283 = vector.broadcast %shift_right_arithmetic3A : i32 to vector<16xi32>
      %shift_right_arithmetic3A_284 = arith.shrsi %get3A_277, %shift_right_arithmetic3A_283 : vector<16xi32>
      %and3A_285 = arith.constant 240 : i32
      %and3A_286 = vector.broadcast %and3A_285 : i32 to vector<16xi32>
      %and3A_287 = arith.andi %shift_right_arithmetic3A_284, %and3A_286 : vector<16xi32>
      %add3A_288 = arith.constant 256 : i32
      %add3A_289 = vector.broadcast %add3A_288 : i32 to vector<16xi32>
      %add3A_290 = arith.addi %iota3A, %add3A_289 : vector<16xi32>
      %add3A_291 = arith.addi %and3A_287, %add3A_290 : vector<16xi32>
      tpu.vector_store_idx %arg6[%add3A_291], %broadcast_in_dim3A_228 {add = true} : memref<1792xf32, #tpu.memory_space<vmem>>[vector<16xi32>], vector<16xf32>,
      %shift_right_arithmetic3A_292 = arith.constant 4 : i32
      %shift_right_arithmetic3A_293 = vector.broadcast %shift_right_arithmetic3A_292 : i32 to vector<16xi32>
      %shift_right_arithmetic3A_294 = arith.shrsi %get3A_277, %shift_right_arithmetic3A_293 : vector<16xi32>
      %and3A_295 = arith.constant 240 : i32
      %and3A_296 = vector.broadcast %and3A_295 : i32 to vector<16xi32>
      %and3A_297 = arith.andi %shift_right_arithmetic3A_294, %and3A_296 : vector<16xi32>
      %add3A_298 = arith.constant 512 : i32
      %add3A_299 = vector.broadcast %add3A_298 : i32 to vector<16xi32>
      %add3A_300 = arith.addi %iota3A, %add3A_299 : vector<16xi32>
      %add3A_301 = arith.addi %and3A_297, %add3A_300 : vector<16xi32>
      tpu.vector_store_idx %arg6[%add3A_301], %broadcast_in_dim3A_228 {add = true} : memref<1792xf32, #tpu.memory_space<vmem>>[vector<16xi32>], vector<16xf32>,
      %shift_right_arithmetic3A_302 = arith.constant 8 : i32
      %shift_right_arithmetic3A_303 = vector.broadcast %shift_right_arithmetic3A_302 : i32 to vector<16xi32>
      %shift_right_arithmetic3A_304 = arith.shrsi %get3A_277, %shift_right_arithmetic3A_303 : vector<16xi32>
      %and3A_305 = arith.constant 240 : i32
      %and3A_306 = vector.broadcast %and3A_305 : i32 to vector<16xi32>
      %and3A_307 = arith.andi %shift_right_arithmetic3A_304, %and3A_306 : vector<16xi32>
      %add3A_308 = arith.constant 768 : i32
      %add3A_309 = vector.broadcast %add3A_308 : i32 to vector<16xi32>
      %add3A_310 = arith.addi %iota3A, %add3A_309 : vector<16xi32>
      %add3A_311 = arith.addi %and3A_307, %add3A_310 : vector<16xi32>
      tpu.vector_store_idx %arg6[%add3A_311], %broadcast_in_dim3A_228 {add = true} : memref<1792xf32, #tpu.memory_space<vmem>>[vector<16xi32>], vector<16xf32>,
      %shift_right_arithmetic3A_312 = arith.constant 12 : i32
      %shift_right_arithmetic3A_313 = vector.broadcast %shift_right_arithmetic3A_312 : i32 to vector<16xi32>
      %shift_right_arithmetic3A_314 = arith.shrsi %get3A_277, %shift_right_arithmetic3A_313 : vector<16xi32>
      %and3A_315 = arith.constant 240 : i32
      %and3A_316 = vector.broadcast %and3A_315 : i32 to vector<16xi32>
      %and3A_317 = arith.andi %shift_right_arithmetic3A_314, %and3A_316 : vector<16xi32>
      %add3A_318 = arith.constant 1024 : i32
      %add3A_319 = vector.broadcast %add3A_318 : i32 to vector<16xi32>
      %add3A_320 = arith.addi %iota3A, %add3A_319 : vector<16xi32>
      %add3A_321 = arith.addi %and3A_317, %add3A_320 : vector<16xi32>
      tpu.vector_store_idx %arg6[%add3A_321], %broadcast_in_dim3A_228 {add = true} : memref<1792xf32, #tpu.memory_space<vmem>>[vector<16xi32>], vector<16xf32>,
      %shift_right_arithmetic3A_322 = arith.constant 16 : i32
      %shift_right_arithmetic3A_323 = vector.broadcast %shift_right_arithmetic3A_322 : i32 to vector<16xi32>
      %shift_right_arithmetic3A_324 = arith.shrsi %get3A_277, %shift_right_arithmetic3A_323 : vector<16xi32>
      %and3A_325 = arith.constant 496 : i32
      %and3A_326 = vector.broadcast %and3A_325 : i32 to vector<16xi32>
      %and3A_327 = arith.andi %shift_right_arithmetic3A_324, %and3A_326 : vector<16xi32>
      %add3A_328 = arith.constant 1280 : i32
      %add3A_329 = vector.broadcast %add3A_328 : i32 to vector<16xi32>
      %add3A_330 = arith.addi %iota3A, %add3A_329 : vector<16xi32>
      %add3A_331 = arith.addi %and3A_327, %add3A_330 : vector<16xi32>
      tpu.vector_store_idx %arg6[%add3A_331], %broadcast_in_dim3A_228 {add = true} : memref<1792xf32, #tpu.memory_space<vmem>>[vector<16xi32>], vector<16xf32>,
    }
    %scan3A_271 = arith.constant 512 : i32
    %mul3A_272 = arith.constant 1792 : i32
    %mul3A_273 = arith.muli %add3A, %mul3A_272 : i32
    "tpu.region"() ({
      %run_scoped3A = tpu.sem_alloc : memref<!tpu.dma_semaphore, #tpu.memory_space<semaphore_mem>>
      %dma_start3A_274 = tpu.memref_slice %arg3[%mul3A_273] : memref<57344xf32, #tpu.memory_space<hbm>> -> memref<1792xf32, #tpu.memory_space<hbm>>
      %dma_start3A_275 = tpu.memref_slice %arg3[%mul3A_273] : memref<57344xf32, #tpu.memory_space<hbm>> -> memref<1792xf32, #tpu.memory_space<hbm>>
      tpu.enqueue_dma source(%arg6 : memref<1792xf32, #tpu.memory_space<vmem>>) target(%dma_start3A_275 : memref<1792xf32, #tpu.memory_space<hbm>>) target_semaphore(%run_scoped3A : memref<!tpu.dma_semaphore, #tpu.memory_space<semaphore_mem>>)
      %dma_wait3A_276 = tpu.memref_slice %arg3[%mul3A_273] : memref<57344xf32, #tpu.memory_space<hbm>> -> memref<1792xf32, #tpu.memory_space<hbm>>
      %dma_wait3A_277 = tpu.memref_slice %arg3[%mul3A_273] : memref<57344xf32, #tpu.memory_space<hbm>> -> memref<1792xf32, #tpu.memory_space<hbm>>
      tpu.wait_dma2 semaphore(%run_scoped3A : memref<!tpu.dma_semaphore, #tpu.memory_space<semaphore_mem>>) src(%arg6 : memref<1792xf32, #tpu.memory_space<vmem>>) dst(%dma_wait3A_277 : memref<1792xf32, #tpu.memory_space<hbm>>)
      tpu.yield
    }) : () -> ()
    return
  }
}

module attributes {stable_mosaic.version = 14 : i64} {
  func.func @body(%arg0: memref<32x112x16xf32, #tpu.memory_space<vmem>>, %arg1: memref<112x240xf32, #tpu.memory_space<vmem>>, %arg2: memref<240x8xf32, #tpu.memory_space<vmem>>, %arg3: memref<1x8xf32, #tpu.memory_space<vmem>>) attributes {dimension_semantics = [], scalar_prefetch = 0 : i64, scratch_operands = 0 : i64, tpu.core_type = #tpu.core_type<tc>} {
    %get3A = arith.constant 0 : index
    %get3A_0 = arith.constant 0 : index
    %get3A_1 = arith.constant 0 : index
    %get3A_2 = vector.load %arg0[%get3A, %get3A_0, %get3A_1] : memref<32x112x16xf32, #tpu.memory_space<vmem>>, vector<32x112x16xf32>
    %reduce_sum3A = arith.constant dense<0.000000e+00> : vector<32x112xf32>
    %reduce_sum3A_3 = vector.multi_reduction <add>, %get3A_2, %reduce_sum3A [2] : vector<32x112x16xf32> to vector<32x112xf32>
    %reduce_sum3A_4 = arith.constant dense<0.000000e+00> : vector<112xf32>
    %reduce_sum3A_5 = vector.multi_reduction <add>, %reduce_sum3A_3, %reduce_sum3A_4 [0] : vector<32x112xf32> to vector<112xf32>
    %reshape3A = vector.shape_cast %reduce_sum3A_5 : vector<112xf32> to vector<1x112xf32>
    %get3A_6 = arith.constant 0 : index
    %get3A_7 = arith.constant 0 : index
    %get3A_8 = vector.load %arg1[%get3A_6, %get3A_7] : memref<112x240xf32, #tpu.memory_space<vmem>>, vector<112x240xf32>
    %dot_general3A = arith.constant dense<0.000000e+00> : vector<1x240xf32>
    %dot_general3A_9 = tpu.matmul %reshape3A, %get3A_8, %dot_general3A {dimension_numbers = #tpu.dot_dimension_numbers<[1], [0], [0], [1], [0, 0, 1, 1], [], []>, precision = #tpu.contract_precision<fp32>, transpose_lhs_hint = false} : vector<1x112xf32>, vector<112x240xf32>, vector<1x240xf32> -> vector<1x240xf32>
    %div3A = arith.constant 0x49800000 : f32
    %div3A_10 = vector.broadcast %div3A : f32 to vector<1x240xf32>
    %div3A_11 = arith.divf %dot_general3A_9, %div3A_10 : vector<1x240xf32>
    %gt3A = arith.constant 0.000000e+00 : f32
    %gt3A_12 = vector.broadcast %gt3A : f32 to vector<1x240xf32>
    %gt3A_13 = arith.cmpf ogt, %dot_general3A_9, %gt3A_12 : vector<1x240xf32>
    %jit3A = arith.constant 1.000000e+00 : f32
    %broadcast_in_dim3A = vector.broadcast %jit3A : f32 to vector<1x240xf32>
    %select_n3A = arith.select %gt3A_13, %div3A_11, %broadcast_in_dim3A : vector<1x240xi1>, vector<1x240xf32>
    %log3A = math.log %select_n3A : vector<1x240xf32>
    %mul3A = arith.constant 1.44269502 : f32
    %mul3A_14 = vector.broadcast %mul3A : f32 to vector<1x240xf32>
    %mul3A_15 = arith.mulf %log3A, %mul3A_14 : vector<1x240xf32>
    %gt3A_16 = arith.constant 0.000000e+00 : f32
    %gt3A_17 = vector.broadcast %gt3A_16 : f32 to vector<1x240xf32>
    %gt3A_18 = arith.cmpf ogt, %dot_general3A_9, %gt3A_17 : vector<1x240xf32>
    %mul3A_19 = arith.mulf %div3A_11, %mul3A_15 : vector<1x240xf32>
    %neg3A = arith.constant 0.000000e+00 : f32
    %neg3A_20 = vector.broadcast %neg3A : f32 to vector<1x240xf32>
    %neg3A_21 = arith.subf %neg3A_20, %mul3A_19 : vector<1x240xf32>
    %jit3A_22 = arith.constant 0.000000e+00 : f32
    %broadcast_in_dim3A_23 = vector.broadcast %jit3A_22 : f32 to vector<1x240xf32>
    %select_n3A_24 = arith.select %gt3A_18, %neg3A_21, %broadcast_in_dim3A_23 : vector<1x240xi1>, vector<1x240xf32>
    %get3A_25 = arith.constant 0 : index
    %get3A_26 = arith.constant 0 : index
    %get3A_27 = vector.load %arg2[%get3A_25, %get3A_26] : memref<240x8xf32, #tpu.memory_space<vmem>>, vector<240x8xf32>
    %dot_general3A_28 = arith.constant dense<0.000000e+00> : vector<1x8xf32>
    %dot_general3A_29 = tpu.matmul %select_n3A_24, %get3A_27, %dot_general3A_28 {dimension_numbers = #tpu.dot_dimension_numbers<[1], [0], [0], [1], [0, 0, 1, 1], [], []>, precision = #tpu.contract_precision<fp32>, transpose_lhs_hint = false} : vector<1x240xf32>, vector<240x8xf32>, vector<1x8xf32> -> vector<1x8xf32>
    %swap3A = arith.constant 0 : index
    %swap3A_30 = arith.constant 0 : index
    %swap3A_31 = vector.load %arg3[%swap3A, %swap3A_30] : memref<1x8xf32, #tpu.memory_space<vmem>>, vector<1x8xf32>
    tpu.vector_store %arg3[%swap3A, %swap3A_30], %dot_general3A_29 {strides = array<i32>} : memref<1x8xf32, #tpu.memory_space<vmem>>, vector<1x8xf32>,
    return
  }
}

module attributes {stable_mosaic.version = 14 : i64} {
  func.func @body(%arg0: i32, %arg1: memref<20x32768xf32, #tpu.memory_space<vmem>>, %arg2: memref<32768xi32, #tpu.memory_space<vmem>>) attributes {dimension_semantics = [#tpu.dimension_semantics<arbitrary>], iteration_bounds = array<i64: 32>, scalar_prefetch = 0 : i64, scratch_operands = 0 : i64, tpu.core_type = #tpu.core_type<tc>, window_params = [{transform_indices = @transform_0, window_bounds = array<i64: 20, 32768>}, {transform_indices = @transform_1, window_bounds = array<i64: 32768>}]} {
    %iota3A = tpu.iota {dimensions = array<i32: 0>} : vector<8x1xi32>
    %get3A = arith.constant 0 : index
    %get3A_0 = arith.constant 0 : index
    %get3A_1 = vector.load %arg1[%get3A, %get3A_0] : memref<20x32768xf32, #tpu.memory_space<vmem>>, vector<8x32768xf32>
    %gt3A = arith.constant 0.000000e+00 : f32
    %gt3A_2 = vector.broadcast %gt3A : f32 to vector<8x32768xf32>
    %gt3A_3 = arith.cmpf ogt, %get3A_1, %gt3A_2 : vector<8x32768xf32>
    %add3A = arith.constant 0 : i32
    %add3A_4 = vector.broadcast %add3A : i32 to vector<8x1xi32>
    %add3A_5 = arith.addi %iota3A, %add3A_4 : vector<8x1xi32>
    %shift_left3A = arith.constant 1 : i32
    %shift_left3A_6 = vector.broadcast %shift_left3A : i32 to vector<8x1xi32>
    %shift_left3A_7 = arith.shli %shift_left3A_6, %add3A_5 : vector<8x1xi32>
    %jit3A = arith.constant 0 : i32
    %broadcast_in_dim3A = vector.shape_cast %shift_left3A_7 : vector<8x1xi32> to vector<8x1xi32>
    %broadcast_in_dim3A_8 = vector.broadcast %broadcast_in_dim3A : vector<8x1xi32> to vector<8x32768xi32>
    %broadcast_in_dim3A_9 = vector.broadcast %jit3A : i32 to vector<8x32768xi32>
    %select_n3A = arith.select %gt3A_3, %broadcast_in_dim3A_8, %broadcast_in_dim3A_9 : vector<8x32768xi1>, vector<8x32768xi32>
    %roll3A = arith.constant 7 : i32
    %roll3A_10 = tpu.dynamic_rotate %get3A_1 by %roll3A dim 0 : vector<8x32768xf32>, i32 -> vector<8x32768xf32>
    %add3A_11 = arith.addf %get3A_1, %roll3A_10 : vector<8x32768xf32>
    %roll3A_12 = arith.constant 6 : i32
    %roll3A_13 = tpu.dynamic_rotate %add3A_11 by %roll3A_12 dim 0 : vector<8x32768xf32>, i32 -> vector<8x32768xf32>
    %add3A_14 = arith.addf %add3A_11, %roll3A_13 : vector<8x32768xf32>
    %eq3A = arith.constant 0 : i32
    %eq3A_15 = vector.broadcast %eq3A : i32 to vector<8x1xi32>
    %eq3A_16 = arith.cmpi eq, %iota3A, %eq3A_15 : vector<8x1xi32>
    %jit3A_17 = arith.constant 1 : i32
    %jit3A_18 = arith.constant 0 : i32
    %broadcast_in_dim3A_19 = vector.broadcast %jit3A_17 : i32 to vector<8x1xi32>
    %broadcast_in_dim3A_20 = vector.broadcast %jit3A_18 : i32 to vector<8x1xi32>
    %select_n3A_21 = arith.select %eq3A_16, %broadcast_in_dim3A_19, %broadcast_in_dim3A_20 : vector<8x1xi1>, vector<8x1xi32>
    %shift_left3A_22 = arith.constant 20 : i32
    %shift_left3A_23 = vector.broadcast %shift_left3A_22 : i32 to vector<8x1xi32>
    %shift_left3A_24 = arith.shli %select_n3A_21, %shift_left3A_23 : vector<8x1xi32>
    %eq3A_25 = arith.constant 4 : i32
    %eq3A_26 = vector.broadcast %eq3A_25 : i32 to vector<8x1xi32>
    %eq3A_27 = arith.cmpi eq, %iota3A, %eq3A_26 : vector<8x1xi32>
    %jit3A_28 = arith.constant 1 : i32
    %jit3A_29 = arith.constant 0 : i32
    %broadcast_in_dim3A_30 = vector.broadcast %jit3A_28 : i32 to vector<8x1xi32>
    %broadcast_in_dim3A_31 = vector.broadcast %jit3A_29 : i32 to vector<8x1xi32>
    %select_n3A_32 = arith.select %eq3A_27, %broadcast_in_dim3A_30, %broadcast_in_dim3A_31 : vector<8x1xi1>, vector<8x1xi32>
    %shift_left3A_33 = arith.constant 21 : i32
    %shift_left3A_34 = vector.broadcast %shift_left3A_33 : i32 to vector<8x1xi32>
    %shift_left3A_35 = arith.shli %select_n3A_32, %shift_left3A_34 : vector<8x1xi32>
    %add3A_36 = arith.addi %shift_left3A_24, %shift_left3A_35 : vector<8x1xi32>
    %gt3A_37 = arith.constant 0.000000e+00 : f32
    %gt3A_38 = vector.broadcast %gt3A_37 : f32 to vector<8x32768xf32>
    %gt3A_39 = arith.cmpf ogt, %add3A_14, %gt3A_38 : vector<8x32768xf32>
    %jit3A_40 = arith.constant 0 : i32
    %broadcast_in_dim3A_41 = vector.shape_cast %add3A_36 : vector<8x1xi32> to vector<8x1xi32>
    %broadcast_in_dim3A_42 = vector.broadcast %broadcast_in_dim3A_41 : vector<8x1xi32> to vector<8x32768xi32>
    %broadcast_in_dim3A_43 = vector.broadcast %jit3A_40 : i32 to vector<8x32768xi32>
    %select_n3A_44 = arith.select %gt3A_39, %broadcast_in_dim3A_42, %broadcast_in_dim3A_43 : vector<8x32768xi1>, vector<8x32768xi32>
    %add3A_45 = arith.addi %select_n3A, %select_n3A_44 : vector<8x32768xi32>
    %get3A_46 = arith.constant 8 : index
    %get3A_47 = arith.constant 0 : index
    %get3A_48 = vector.load %arg1[%get3A_46, %get3A_47] : memref<20x32768xf32, #tpu.memory_space<vmem>>, vector<8x32768xf32>
    %gt3A_49 = arith.constant 0.000000e+00 : f32
    %gt3A_50 = vector.broadcast %gt3A_49 : f32 to vector<8x32768xf32>
    %gt3A_51 = arith.cmpf ogt, %get3A_48, %gt3A_50 : vector<8x32768xf32>
    %add3A_52 = arith.constant 8 : i32
    %add3A_53 = vector.broadcast %add3A_52 : i32 to vector<8x1xi32>
    %add3A_54 = arith.addi %iota3A, %add3A_53 : vector<8x1xi32>
    %shift_left3A_55 = arith.constant 1 : i32
    %shift_left3A_56 = vector.broadcast %shift_left3A_55 : i32 to vector<8x1xi32>
    %shift_left3A_57 = arith.shli %shift_left3A_56, %add3A_54 : vector<8x1xi32>
    %jit3A_58 = arith.constant 0 : i32
    %broadcast_in_dim3A_59 = vector.shape_cast %shift_left3A_57 : vector<8x1xi32> to vector<8x1xi32>
    %broadcast_in_dim3A_60 = vector.broadcast %broadcast_in_dim3A_59 : vector<8x1xi32> to vector<8x32768xi32>
    %broadcast_in_dim3A_61 = vector.broadcast %jit3A_58 : i32 to vector<8x32768xi32>
    %select_n3A_62 = arith.select %gt3A_51, %broadcast_in_dim3A_60, %broadcast_in_dim3A_61 : vector<8x32768xi1>, vector<8x32768xi32>
    %roll3A_63 = arith.constant 7 : i32
    %roll3A_64 = tpu.dynamic_rotate %get3A_48 by %roll3A_63 dim 0 : vector<8x32768xf32>, i32 -> vector<8x32768xf32>
    %add3A_65 = arith.addf %get3A_48, %roll3A_64 : vector<8x32768xf32>
    %roll3A_66 = arith.constant 6 : i32
    %roll3A_67 = tpu.dynamic_rotate %add3A_65 by %roll3A_66 dim 0 : vector<8x32768xf32>, i32 -> vector<8x32768xf32>
    %add3A_68 = arith.addf %add3A_65, %roll3A_67 : vector<8x32768xf32>
    %eq3A_69 = arith.constant 0 : i32
    %eq3A_70 = vector.broadcast %eq3A_69 : i32 to vector<8x1xi32>
    %eq3A_71 = arith.cmpi eq, %iota3A, %eq3A_70 : vector<8x1xi32>
    %jit3A_72 = arith.constant 1 : i32
    %jit3A_73 = arith.constant 0 : i32
    %broadcast_in_dim3A_74 = vector.broadcast %jit3A_72 : i32 to vector<8x1xi32>
    %broadcast_in_dim3A_75 = vector.broadcast %jit3A_73 : i32 to vector<8x1xi32>
    %select_n3A_76 = arith.select %eq3A_71, %broadcast_in_dim3A_74, %broadcast_in_dim3A_75 : vector<8x1xi1>, vector<8x1xi32>
    %shift_left3A_77 = arith.constant 22 : i32
    %shift_left3A_78 = vector.broadcast %shift_left3A_77 : i32 to vector<8x1xi32>
    %shift_left3A_79 = arith.shli %select_n3A_76, %shift_left3A_78 : vector<8x1xi32>
    %eq3A_80 = arith.constant 4 : i32
    %eq3A_81 = vector.broadcast %eq3A_80 : i32 to vector<8x1xi32>
    %eq3A_82 = arith.cmpi eq, %iota3A, %eq3A_81 : vector<8x1xi32>
    %jit3A_83 = arith.constant 1 : i32
    %jit3A_84 = arith.constant 0 : i32
    %broadcast_in_dim3A_85 = vector.broadcast %jit3A_83 : i32 to vector<8x1xi32>
    %broadcast_in_dim3A_86 = vector.broadcast %jit3A_84 : i32 to vector<8x1xi32>
    %select_n3A_87 = arith.select %eq3A_82, %broadcast_in_dim3A_85, %broadcast_in_dim3A_86 : vector<8x1xi1>, vector<8x1xi32>
    %shift_left3A_88 = arith.constant 23 : i32
    %shift_left3A_89 = vector.broadcast %shift_left3A_88 : i32 to vector<8x1xi32>
    %shift_left3A_90 = arith.shli %select_n3A_87, %shift_left3A_89 : vector<8x1xi32>
    %add3A_91 = arith.addi %shift_left3A_79, %shift_left3A_90 : vector<8x1xi32>
    %gt3A_92 = arith.constant 0.000000e+00 : f32
    %gt3A_93 = vector.broadcast %gt3A_92 : f32 to vector<8x32768xf32>
    %gt3A_94 = arith.cmpf ogt, %add3A_68, %gt3A_93 : vector<8x32768xf32>
    %jit3A_95 = arith.constant 0 : i32
    %broadcast_in_dim3A_96 = vector.shape_cast %add3A_91 : vector<8x1xi32> to vector<8x1xi32>
    %broadcast_in_dim3A_97 = vector.broadcast %broadcast_in_dim3A_96 : vector<8x1xi32> to vector<8x32768xi32>
    %broadcast_in_dim3A_98 = vector.broadcast %jit3A_95 : i32 to vector<8x32768xi32>
    %select_n3A_99 = arith.select %gt3A_94, %broadcast_in_dim3A_97, %broadcast_in_dim3A_98 : vector<8x32768xi1>, vector<8x32768xi32>
    %add3A_100 = arith.addi %select_n3A_62, %select_n3A_99 : vector<8x32768xi32>
    %add3A_101 = arith.addi %add3A_45, %add3A_100 : vector<8x32768xi32>
    %get3A_102 = arith.constant 16 : index
    %get3A_103 = arith.constant 0 : index
    %get3A_104 = vector.load %arg1[%get3A_102, %get3A_103] : memref<20x32768xf32, #tpu.memory_space<vmem>>, vector<4x32768xf32>
    %iota3A_105 = tpu.iota {dimensions = array<i32: 0>} : vector<4x1xi32>
    %gt3A_106 = arith.constant 0.000000e+00 : f32
    %gt3A_107 = vector.broadcast %gt3A_106 : f32 to vector<4x32768xf32>
    %gt3A_108 = arith.cmpf ogt, %get3A_104, %gt3A_107 : vector<4x32768xf32>
    %add3A_109 = arith.constant 16 : i32
    %add3A_110 = vector.broadcast %add3A_109 : i32 to vector<4x1xi32>
    %add3A_111 = arith.addi %iota3A_105, %add3A_110 : vector<4x1xi32>
    %shift_left3A_112 = arith.constant 1 : i32
    %shift_left3A_113 = vector.broadcast %shift_left3A_112 : i32 to vector<4x1xi32>
    %shift_left3A_114 = arith.shli %shift_left3A_113, %add3A_111 : vector<4x1xi32>
    %jit3A_115 = arith.constant 0 : i32
    %broadcast_in_dim3A_116 = vector.shape_cast %shift_left3A_114 : vector<4x1xi32> to vector<4x1xi32>
    %broadcast_in_dim3A_117 = vector.broadcast %broadcast_in_dim3A_116 : vector<4x1xi32> to vector<4x32768xi32>
    %broadcast_in_dim3A_118 = vector.broadcast %jit3A_115 : i32 to vector<4x32768xi32>
    %select_n3A_119 = arith.select %gt3A_108, %broadcast_in_dim3A_117, %broadcast_in_dim3A_118 : vector<4x32768xi1>, vector<4x32768xi32>
    %roll3A_120 = arith.constant 3 : i32
    %roll3A_121 = tpu.dynamic_rotate %get3A_104 by %roll3A_120 dim 0 : vector<4x32768xf32>, i32 -> vector<4x32768xf32>
    %add3A_122 = arith.addf %get3A_104, %roll3A_121 : vector<4x32768xf32>
    %roll3A_123 = arith.constant 2 : i32
    %roll3A_124 = tpu.dynamic_rotate %add3A_122 by %roll3A_123 dim 0 : vector<4x32768xf32>, i32 -> vector<4x32768xf32>
    %add3A_125 = arith.addf %add3A_122, %roll3A_124 : vector<4x32768xf32>
    %eq3A_126 = arith.constant 0 : i32
    %eq3A_127 = vector.broadcast %eq3A_126 : i32 to vector<4x1xi32>
    %eq3A_128 = arith.cmpi eq, %iota3A_105, %eq3A_127 : vector<4x1xi32>
    %shift_left3A_129 = arith.constant 1 : i32
    %shift_left3A_130 = arith.constant 24 : i32
    %shift_left3A_131 = arith.shli %shift_left3A_129, %shift_left3A_130 : i32
    %jit3A_132 = arith.constant 0 : i32
    %broadcast_in_dim3A_133 = vector.broadcast %shift_left3A_131 : i32 to vector<4x1xi32>
    %broadcast_in_dim3A_134 = vector.broadcast %jit3A_132 : i32 to vector<4x1xi32>
    %select_n3A_135 = arith.select %eq3A_128, %broadcast_in_dim3A_133, %broadcast_in_dim3A_134 : vector<4x1xi1>, vector<4x1xi32>
    %gt3A_136 = arith.constant 0.000000e+00 : f32
    %gt3A_137 = vector.broadcast %gt3A_136 : f32 to vector<4x32768xf32>
    %gt3A_138 = arith.cmpf ogt, %add3A_125, %gt3A_137 : vector<4x32768xf32>
    %jit3A_139 = arith.constant 0 : i32
    %broadcast_in_dim3A_140 = vector.shape_cast %select_n3A_135 : vector<4x1xi32> to vector<4x1xi32>
    %broadcast_in_dim3A_141 = vector.broadcast %broadcast_in_dim3A_140 : vector<4x1xi32> to vector<4x32768xi32>
    %broadcast_in_dim3A_142 = vector.broadcast %jit3A_139 : i32 to vector<4x32768xi32>
    %select_n3A_143 = arith.select %gt3A_138, %broadcast_in_dim3A_141, %broadcast_in_dim3A_142 : vector<4x32768xi1>, vector<4x32768xi32>
    %add3A_144 = arith.addi %select_n3A_119, %select_n3A_143 : vector<4x32768xi32>
    %reduce_sum3A = arith.constant dense<0> : vector<32768xi32>
    %reduce_sum3A_145 = vector.multi_reduction <add>, %add3A_101, %reduce_sum3A [0] : vector<8x32768xi32> to vector<32768xi32>
    %reduce_sum3A_146 = arith.constant dense<0> : vector<32768xi32>
    %reduce_sum3A_147 = vector.multi_reduction <add>, %add3A_144, %reduce_sum3A_146 [0] : vector<4x32768xi32> to vector<32768xi32>
    %add3A_148 = arith.addi %reduce_sum3A_145, %reduce_sum3A_147 : vector<32768xi32>
    %swap3A = arith.constant 0 : index
    %swap3A_149 = vector.load %arg2[%swap3A] : memref<32768xi32, #tpu.memory_space<vmem>>, vector<32768xi32>
    tpu.vector_store %arg2[%swap3A], %add3A_148 {strides = array<i32>} : memref<32768xi32, #tpu.memory_space<vmem>>, vector<32768xi32>,
    return
  }
  func.func @transform_0(%arg0: i32) -> (i32, i32) {
    %c0_i32 = arith.constant 0 : i32
    %c0_i32_0 = arith.constant 0 : i32
    return %c0_i32, %arg0 : i32, i32
  }
  func.func @transform_1(%arg0: i32) -> i32 {
    %c0_i32 = arith.constant 0 : i32
    return %arg0 : i32
  }
}

</mosaic_0001>

<sc_bundles>
// kernel: kernel.5.cloned.1.call-start
scs
__scs_entry_jumppad:
0x0: {  	(pc) =	sbr.rel $0x88, $3  }
0x1: {  	(tag) =	ssettag $0x0;
	lr =	simm.s32 $0x1  }
0x2: {  	[smem:$0x3FA0] =	sst lr;
	_ =	strace $0xD0000000  }
0x3: {  	_ = 	snop  }
0x4: {  	_ = 	snop  }
0x5: {  	_ = 	snop  }
0x6: {  	_ = 	snop  }
0x7: {  	_ = 	snop  }
__scs_overlays_trampoline_lowered:
0x8: {  	[smem:$0x3FAF] =	sst s0  }
0x9: {  	[smem:$0x3FB0] =	sst s1  }
0xa: {  	[smem:$0x3FB1] =	sst s2  }
0xb: {  	[smem:$0x3FB2] =	sst s3  }
0xc: {  	[smem:$0x3FB3] =	sst s4  }
0xd: {  	[smem:$0x3FB4] =	sst s5  }
0xe: {  	[smem:$0x3FB5] =	sst s6  }
0xf: {  	[smem:$0x3FB6] =	sst s7  }
0x10: {  	[smem:$0x3FB7] =	sst s8  }
0x11: {  	[smem:$0x3FB8] =	sst s9;
	s0 =	simm.s32 @!p0 $0x0  }
0x12: {  	s1 =	sld [smem:$0x3F9E];
	s0 =	simm.s32 @p0 $0x1  }
0x13: {  	[smem:$0x3FB9] =	sst s0;
	s0 =	simm.s32 @!p1 $0x0  }
0x14: {  	s2 =	sld [smem:$0x3F9D];
	s0 =	simm.s32 @p1 $0x1  }
0x15: {  	[smem:$0x3FBA] =	sst s0;
	s0 =	simm.s32 @!p2 $0x0  }
0x16: {  	s3 =	sld [smem:$0x3FDB];
	s0 =	simm.s32 @p2 $0x1  }
0x17: {  	s4 =	simm.s32 $0x1BF5;
	[smem:$0x3FBC] =	sst s0  }
0x18: {  	s0 =	sld [smem:$0x3F9F];
	_ =	swait.ge [sflag:s4], $0x0  }
0x19: {  	s7 =	sld [smem:$0x3FA0]  }
0x1a: {  	s8 =	sadd.s32 $0xFFFFE003, lr  }
0x1b: {  	s9 =	sadd.s32 $0xFFFFFEF7, lr;
	s5 =	simm.s32 $0xFFFFFFFF;
	p2 =	slt.u32 s8, $0xFFFFF086  }
0x1c: {  	p1 =	slt.u32 s9, $0xF7A;
	s5 =	simm.s32 @!p2 $0x0  }
0x1d: {  	s5 =	simm.s32 @p1 $0x1;
	p0 =	seq.s32 s7, s2  }
0x1e: {  	s7 =	smul.u32 @!p0 $0xF7A, s2;
	p2 =	seq.s32 @!p0 s5, $0x0  }
0x1f: {  	s9 =	smul.u32 $0xF7A, s1;
	s8 =	simm.s32 @!p0 $0x1BF5;
	p2 =	por !p2, p0  }
0x20: {  	[sflag:s8] =	ssyncset.s32 @!p0 $0xFFFFF086;
	s6 =	sadd.s32 @!p0 s3, s7;
	s7 =	simm.s32 @!p0 $0x108  }
0x21: {  	s3 =	sadd.s32 s3, s9;
	s6 =	sadd.s32 @!p0 $0x88, s6;
	s7 =	simm.s32 @p2 $0x1082  }
0x22: {  	[simem:s7], [sflag:s8] =	dma.local @!p0 [hbm:s6], $0xF7A  }
0x23: {  	s9 =	sor.u32 $0xD0000000, s2;
	s6 =	simm.s32 $0x108;
	_ =	swait.ge @!p0 [sflag:s8], $0x0  }
0x24: {  	s3 =	sadd.s32 $0x88, s3;
	s6 =	simm.s32 @!p1 $0x1082;
	[sflag:s4] =	ssyncset.s32 $0xFFFFF086  }
0x25: {  	[simem:s6], [sflag:s4] =	dma.local [hbm:s3], $0xF7A  }
0x26: {  	[smem:$0x3FA0] =	sst s1;
	(tag) =	ssettag s2;
	_ =	strace s9  }
0x27: {  	s1 =	sld [smem:$0x3FB0]  }
0x28: {  	s2 =	sld [smem:$0x3FB1]  }
0x29: {  	s4 =	sld [smem:$0x3FB3]  }
0x2a: {  	p0 =	seq.s32 s5, $0x0;
	s5 =	sld [smem:$0x3FB4]  }
0x2b: {  	s6 =	sld [smem:$0x3FB5]  }
0x2c: {  	s7 =	sld [smem:$0x3FB6]  }
0x2d: {  	s3 =	simm.s32 $0x108;
	s8 =	sld [smem:$0x3FB7]  }
0x2e: {  	s3 =	simm.s32 @!p0 $0x1082;
	s9 =	sld [smem:$0x3FB8]  }
0x2f: {  	lr =	sadd.s32 s0, s3;
	s0 =	sld [smem:$0x3FAF]  }
0x30: {  	s3 =	sld [smem:$0x3FB2]  }
0x31: {  	[smem:$0x3FBB] =	sst s10  }
0x32: {  	s10 =	sld [smem:$0x3FB9];
	_ =	sdelay $0x3  }
0x33: {  	p0 =	seq.s32 s10, $0x1;
	s10 =	sld [smem:$0x3FBB];
	_ =	sdelay $0x3  }
0x34: {  	[smem:$0x3FBB] =	sst s10  }
0x35: {  	s10 =	sld [smem:$0x3FBA];
	_ =	sdelay $0x3  }
0x36: {  	p1 =	seq.s32 s10, $0x1;
	s10 =	sld [smem:$0x3FBB];
	_ =	sdelay $0x3  }
0x37: {  	[smem:$0x3FBB] =	sst s10  }
0x38: {  	s10 =	sld [smem:$0x3FBC]  }
0x39: {  	_ = 	snop;
	(pc) =	sbr.ind lr, $3  }
0x3a: {  	_ = 	snop  }
0x3b: {  	_ = 	snop  }
0x3c: {  	p2 =	seq.s32 s10, $0x1;
	s10 =	sld [smem:$0x3FBB]  }
0x3d: {  	_ =	shalt  }
0x3e: {  	_ =	shalt  }
0x3f: {  	_ =	shalt  }
0x40: {  	_ =	shalt  }
0x41: {  	_ =	shalt  }
0x42: {  	_ =	shalt  }
0x43: {  	_ =	shalt  }
0x44: {  	_ =	shalt  }
0x45: {  	_ =	shalt  }
0x46: {  	_ =	shalt  }
0x47: {  	_ =	shalt  }
0x48: {  	_ =	shalt  }
0x49: {  	_ =	shalt  }
0x4a: {  	_ =	shalt  }
0x4b: {  	_ =	shalt  }
0x4c: {  	_ =	shalt  }
0x4d: {  	_ =	shalt  }
0x4e: {  	_ =	shalt  }
0x4f: {  	_ =	shalt  }
0x50: {  	_ =	shalt  }
0x51: {  	_ =	shalt  }
0x52: {  	_ =	shalt  }
0x53: {  	_ =	shalt  }
0x54: {  	_ =	shalt  }
0x55: {  	_ =	shalt  }
0x56: {  	_ =	shalt  }
0x57: {  	_ =	shalt  }
0x58: {  	_ =	shalt  }
0x59: {  	_ =	shalt  }
0x5a: {  	_ =	shalt  }
0x5b: {  	_ =	shalt  }
0x5c: {  	_ =	shalt  }
0x5d: {  	_ =	shalt  }
0x5e: {  	_ =	shalt  }
0x5f: {  	_ =	shalt  }
0x60: {  	_ =	shalt  }
0x61: {  	_ =	shalt  }
0x62: {  	_ =	shalt  }
0x63: {  	_ =	shalt  }
0x64: {  	_ =	shalt  }
0x65: {  	_ =	shalt  }
0x66: {  	_ =	shalt  }
0x67: {  	_ =	shalt  }
0x68: {  	_ =	shalt  }
0x69: {  	_ =	shalt  }
0x6a: {  	_ =	shalt  }
0x6b: {  	_ =	shalt  }
0x6c: {  	_ =	shalt  }
0x6d: {  	_ =	shalt  }
0x6e: {  	_ =	shalt  }
0x6f: {  	_ =	shalt  }
0x70: {  	_ =	shalt  }
0x71: {  	_ =	shalt  }
0x72: {  	_ =	shalt  }
0x73: {  	_ =	shalt  }
0x74: {  	_ =	shalt  }
0x75: {  	_ =	shalt  }
0x76: {  	_ =	shalt  }
0x77: {  	_ =	shalt  }
0x78: {  	_ =	shalt  }
0x79: {  	_ =	shalt  }
0x7a: {  	_ =	shalt  }
0x7b: {  	_ =	shalt  }
0x7c: {  	_ =	shalt  }
0x7d: {  	_ =	shalt  }
0x7e: {  	_ =	shalt  }
0x7f: {  	_ =	shalt  }
0x80: {  	_ =	shalt  }
0x81: {  	_ =	shalt  }
0x82: {  	_ =	shalt  }
0x83: {  	_ =	shalt  }
0x84: {  	_ =	shalt  }
0x85: {  	_ =	shalt  }
0x86: {  	_ =	shalt  }
0x87: {  	_ =	shalt  }
.Lfunc_end0:
.L_simem_size_0:
called_computation_lowered:
.L_overlay_start_0:
0x88: {  	s2 =	sld [smem:$0x3FD9]  }
0x89: {  	s3 =	sld [smem:$0x3FFE];
	_ =	sdelay $0x1  }
0x8a: {  	s1 =	srdreg.scid  }
0x8b: {  	s0 =	sand.u32 $0x1, s1  }
0x8c: {  	s16 =	sshll.u32 s0, $0xA;
	s2 =	sadd.s32 s3, s2  }
0x8d: {  	s2 =	sadd.s32 s2, s16  }
0x8e: {  	[smem:$0x3FC7] =	sst s2  }
0x8f: {  	_ = 	snop  }
0x90: {  	(tm) =	ssettm $0x1  }
0x91: {  	s17 =	sld [smem:$0x3FFB];
	_ =	sdelay $0x3  }
0x92: {  	_ =	strace s17  }
0x93: {  	s2 =	sld [smem:$0x3FFC];
	_ =	sdelay $0x3  }
0x94: {  	_ =	strace s2  }
0x95: {  	s2 =	sld [smem:$0x3FFD];
	_ =	sdelay $0x3  }
0x96: {  	_ =	strace s2  }
0x97: {  	_ =	strace $0x8FFFFFFF  }
0x98: {  	s18 =	sld [smem:$0x3FDB];
	_ =	sdelay $0x1  }
0x99: {  	s19 =	simm.s32 $_scs_section_size  }
0x9a: {  	s4 =	simm.s32 $_size__tile_overlayer_lowered;
	s5 =	simm.s32 $_tile_overlayer_lowered  }
0x9b: {  	s22 =	simm.s32 $0x1BFF;
	s21 =	sshll.u32 s5, $0x1;
	s2 =	sadd.s32 s19, s18  }
0x9c: {  	s6 =	simm.s32 $0x0;
	s20 =	sshll.u32 s4, $0x1;
	s4 =	sadd.s32 s21, s2  }
0x9d: {  	[timem:s6], [sflag:s22] =	dma.local [hbm:s4], s20  }
0x9e: {  	_ =	swait.ge [sflag:s22], s20  }
0x9f: {  	s3 =	ssub.s32 $0x0, s20;
	[sflag:s22] =	ssyncset.done $0x0  }
0xa0: {  	[sflag:s22] =	ssyncadd.s32 s3;
	_ =	sdelay $0x1  }
0xa1: {  	s23 =	simm.s32 $0x1B8B  }
0xa2: {  	_ =	swait.ge [sflag:s23], $0x1  }
0xa3: {  	[sflag:s23] =	ssyncset.done $0x0  }
0xa4: {  	s25 =	simm.s32 $0x1B8E;
	s24 =	sld [smem:$0x3FFE];
	[sflag:s23] =	ssyncadd.s32 $0xFFFFFFFF  }
0xa5: {  	s26 =	simm.s32 $execute0_lowered;
	[smem:$0x3FD2] =	sst s25  }
0xa6: {  	s4 =	sshll.u32 s26, $0x1;
	_ =	strace $0x80000046;
	[dreg:$0x1] =	wrdreg $0xFFFFFFFF  }
0xa7: {  	s28 =	simm.s32 $_size_execute0_lowered;
	s2 =	sadd.s32 s2, s4;
	[dreg:$0x0] =	wrdreg $0x0  }
0xa8: {  	s4 =	sshll.u32 s28, $0x1;
	[dreg:$0x2] =	wrdreg s2  }
0xa9: {  	[dreg:$0x3] =	wrdreg s4  }
0xaa: {  	[dreg:$0x4] =	wrdreg $0xC0  }
0xab: {  	_ =	task [dreg:s6], $0x5FFFF  }
0xac: {  	[dreg:$0x1] =	wrdreg $0xFFFFFFFF  }
0xad: {  	[dreg:$0x0] =	wrdreg $0x60  }
0xae: {  	[dreg:$0x2] =	wrdreg s24  }
0xaf: {  	[dreg:$0x3] =	wrdreg $0x9  }
0xb0: {  	_ =	task.clear_ibuf [dreg:s6], $0x4FFFF;
	_ =	strace $0x90000046  }
0xb1: {  	s29 =	simm.s32 $0x9;
	_ =	strace $0x80000048  }
0xb2: {  	_ =	swait.ge [sflag:s29], $0x1  }
0xb3: {  	[sflag:s29] =	ssyncadd.s32 $0xFFFFFFFF  }
0xb4: {  	_ =	strace $0x90000048  }
0xb5: {  	_ =	sfence  }
0xb6: {  	s30 =	sld [smem:$0x0];
	_ =	sdelay $0x2  }
0xb7: {  	s31 =	sshll.u32 s1, $0xD;
	s1 =	sshrl.u32 s1, $0x2  }
0xb8: {  	s3 =	sand.u32 $0x4000, s31;
	s1 =	sadd.s32 s1, s30  }
0xb9: {  	s0 =	sor.u32 s3, s0;
	s1 =	sshll.u32 s1, $0x11  }
0xba: {  	s0 =	sor.u32 s1, s0  }
0xbb: {  	s0 =	sadd.s32 $0x8F2B, s0  }
0xbc: {  	[sflag:s0] =	ssyncadd.remote.s32 $0x1  }
0xbd: {  	_ =	sfence.sel $0xFFFF  }
0xbe: {  	[dreg:$0x0] =	wrdreg $0xFFFFFFFF;
	(pc) =	sbr.abs _section_cstart, $3  }
0xbf: {  	[dreg:$0x1] =	wrdreg $0xFFFFFFFF  }
0xc0: {  	_ =	task.clear_ibuf [dreg:s6], $0x2FFFF;
	_ =	strace $0x9FFFFFFF  }
0xc1: {  	(tm) =	ssettm $0x7FFFFFFF  }
tec
execute0_lowered:
.L_overlay_start_1:
0x0: {  	(tag) =	ssettag $0x1  }
0x1: {  	s1 =	srdreg.scid;
	s0 =	stileid.u32  }
0x2: {  	s3 =	rddreg [dreg:$0x0];
	s2 =	simm.s32 $0x0;
	s11 =	simm.s32 $0x4000  }
0x3: {  	s12 =	simm.s32 $0x2;
	s13 =	simm.s32 $0x3;
	s14 =	simm.s32 $0x0  }
0x4: {  	s4 =	sand.u32 $0x1, s1;
	s5 =	sshll.u32 s0, $0x1;
	s1 =	rddreg [dreg:$0x1]  }
0x5: {  	[smem:$0x7FF] =	sst s2;
	s5 =	sor.u32 s4, s5;
	s4 =	ssub.s32 $0x2, s4  }
0x6: {  	s6 =	smul.u32 $0xE0, s5;
	s5 =	sshll.u32 s5, $0xC;
	s7 =	sshrl.u32 s4, $0x1  }
0x7: {  	v0 =	vlaneseq.u32;
	_ =	strace $0x80000047;
	s8 =	sadd.s32 s5, s3;
	s10 =	ssub.s32 s4, s7  }
0x8: {  	v2 =	vimm.f32 $0.0e+00;
	v4 =	vimm.f32 $1.000000000e+00;
	v1 =	vand.u32 $0x7, v0;
	s9 =	sadd.s32 s6, s3;
	s3 =	sadd.s32 $0xA00, s8;
	s4 =	sadd.s32 $0xE00, s8  }
0x9: {  	v5 =	vor.u32 $0x100, v0;
	v6 =	vor.u32 $0x200, v0;
	v7 =	vor.u32 $0x300, v0;
	s5 =	sadd.s32 $0x1200, s8;
	s6 =	sadd.s32 $0x1600, s8;
	s8 =	smax.u32 s10, $0x1  }
0xa: {  	v8 =	vor.u32 $0x400, v0;
	v9 =	vor.u32 $0x500, v0;
	v3 =	vor.u32 $0xF8, v1;
	s10 =	simm.s32 $0x1;
	s7 =	sadd.s32 $0x20A00, s9;
	s9 =	simm.s32 $0x2000  }
.LBB2_1:
0xb: {  	[tilespmem:$0x4000] =	vst v2  }
0xc: {  	[tilespmem:$0x4010] =	vst v2  }
0xd: {  	[tilespmem:$0x4020] =	vst v2  }
0xe: {  	[tilespmem:$0x4030] =	vst v2  }
0xf: {  	[tilespmem:$0x4040] =	vst v2  }
0x10: {  	[tilespmem:$0x4050] =	vst v2  }
0x11: {  	[tilespmem:$0x4060] =	vst v2  }
0x12: {  	[tilespmem:$0x4070] =	vst v2  }
0x13: {  	[tilespmem:$0x4080] =	vst v2  }
0x14: {  	[tilespmem:$0x4090] =	vst v2  }
0x15: {  	[tilespmem:$0x40A0] =	vst v2  }
0x16: {  	[tilespmem:$0x40B0] =	vst v2  }
0x17: {  	[tilespmem:$0x40C0] =	vst v2  }
0x18: {  	[tilespmem:$0x40D0] =	vst v2  }
0x19: {  	[tilespmem:$0x40E0] =	vst v2  }
0x1a: {  	[tilespmem:$0x40F0] =	vst v2  }
0x1b: {  	[tilespmem:$0x4100] =	vst v2  }
0x1c: {  	[tilespmem:$0x4110] =	vst v2  }
0x1d: {  	[tilespmem:$0x4120] =	vst v2  }
0x1e: {  	[tilespmem:$0x4130] =	vst v2  }
0x1f: {  	[tilespmem:$0x4140] =	vst v2  }
0x20: {  	[tilespmem:$0x4150] =	vst v2  }
0x21: {  	[tilespmem:$0x4160] =	vst v2  }
0x22: {  	[tilespmem:$0x4170] =	vst v2  }
0x23: {  	[tilespmem:$0x4180] =	vst v2  }
0x24: {  	[tilespmem:$0x4190] =	vst v2  }
0x25: {  	[tilespmem:$0x41A0] =	vst v2  }
0x26: {  	[tilespmem:$0x41B0] =	vst v2  }
0x27: {  	[tilespmem:$0x41C0] =	vst v2  }
0x28: {  	[tilespmem:$0x41D0] =	vst v2  }
0x29: {  	[tilespmem:$0x41E0] =	vst v2  }
0x2a: {  	[tilespmem:$0x41F0] =	vst v2  }
0x2b: {  	[tilespmem:$0x4200] =	vst v2  }
0x2c: {  	[tilespmem:$0x4210] =	vst v2  }
0x2d: {  	[tilespmem:$0x4220] =	vst v2  }
0x2e: {  	[tilespmem:$0x4230] =	vst v2  }
0x2f: {  	[tilespmem:$0x4240] =	vst v2  }
0x30: {  	[tilespmem:$0x4250] =	vst v2  }
0x31: {  	[tilespmem:$0x4260] =	vst v2  }
0x32: {  	[tilespmem:$0x4270] =	vst v2  }
0x33: {  	[tilespmem:$0x4280] =	vst v2  }
0x34: {  	[tilespmem:$0x4290] =	vst v2  }
0x35: {  	[tilespmem:$0x42A0] =	vst v2  }
0x36: {  	[tilespmem:$0x42B0] =	vst v2  }
0x37: {  	[tilespmem:$0x42C0] =	vst v2  }
0x38: {  	[tilespmem:$0x42D0] =	vst v2  }
0x39: {  	[tilespmem:$0x42E0] =	vst v2  }
0x3a: {  	[tilespmem:$0x42F0] =	vst v2  }
0x3b: {  	[tilespmem:$0x4300] =	vst v2  }
0x3c: {  	[tilespmem:$0x4310] =	vst v2  }
0x3d: {  	[tilespmem:$0x4320] =	vst v2  }
0x3e: {  	[tilespmem:$0x4330] =	vst v2  }
0x3f: {  	[tilespmem:$0x4340] =	vst v2  }
0x40: {  	[tilespmem:$0x4350] =	vst v2  }
0x41: {  	[tilespmem:$0x4360] =	vst v2  }
0x42: {  	[tilespmem:$0x4370] =	vst v2  }
0x43: {  	[tilespmem:$0x4380] =	vst v2  }
0x44: {  	[tilespmem:$0x4390] =	vst v2  }
0x45: {  	[tilespmem:$0x43A0] =	vst v2  }
0x46: {  	[tilespmem:$0x43B0] =	vst v2  }
0x47: {  	[tilespmem:$0x43C0] =	vst v2  }
0x48: {  	[tilespmem:$0x43D0] =	vst v2  }
0x49: {  	[tilespmem:$0x43E0] =	vst v2  }
0x4a: {  	[tilespmem:$0x43F0] =	vst v2  }
0x4b: {  	[tilespmem:$0x4400] =	vst v2  }
0x4c: {  	[tilespmem:$0x4410] =	vst v2  }
0x4d: {  	[tilespmem:$0x4420] =	vst v2  }
0x4e: {  	[tilespmem:$0x4430] =	vst v2  }
0x4f: {  	[tilespmem:$0x4440] =	vst v2  }
0x50: {  	[tilespmem:$0x4450] =	vst v2  }
0x51: {  	[tilespmem:$0x4460] =	vst v2  }
0x52: {  	[tilespmem:$0x4470] =	vst v2  }
0x53: {  	[tilespmem:$0x4480] =	vst v2  }
0x54: {  	[tilespmem:$0x4490] =	vst v2  }
0x55: {  	[tilespmem:$0x44A0] =	vst v2  }
0x56: {  	[tilespmem:$0x44B0] =	vst v2  }
0x57: {  	[tilespmem:$0x44C0] =	vst v2  }
0x58: {  	[tilespmem:$0x44D0] =	vst v2  }
0x59: {  	[tilespmem:$0x44E0] =	vst v2  }
0x5a: {  	[tilespmem:$0x44F0] =	vst v2  }
0x5b: {  	[tilespmem:$0x4500] =	vst v2  }
0x5c: {  	[tilespmem:$0x4510] =	vst v2  }
0x5d: {  	[tilespmem:$0x4520] =	vst v2  }
0x5e: {  	[tilespmem:$0x4530] =	vst v2  }
0x5f: {  	[tilespmem:$0x4540] =	vst v2  }
0x60: {  	[tilespmem:$0x4550] =	vst v2  }
0x61: {  	[tilespmem:$0x4560] =	vst v2  }
0x62: {  	[tilespmem:$0x4570] =	vst v2  }
0x63: {  	[tilespmem:$0x4580] =	vst v2  }
0x64: {  	[tilespmem:$0x4590] =	vst v2  }
0x65: {  	[tilespmem:$0x45A0] =	vst v2  }
0x66: {  	[tilespmem:$0x45B0] =	vst v2  }
0x67: {  	[tilespmem:$0x45C0] =	vst v2  }
0x68: {  	[tilespmem:$0x45D0] =	vst v2  }
0x69: {  	[tilespmem:$0x45E0] =	vst v2  }
0x6a: {  	[tilespmem:$0x45F0] =	vst v2  }
0x6b: {  	[tilespmem:$0x4600] =	vst v2  }
0x6c: {  	[tilespmem:$0x4610] =	vst v2  }
0x6d: {  	[tilespmem:$0x4620] =	vst v2  }
0x6e: {  	[tilespmem:$0x4630] =	vst v2  }
0x6f: {  	[tilespmem:$0x4640] =	vst v2  }
0x70: {  	[tilespmem:$0x4650] =	vst v2  }
0x71: {  	[tilespmem:$0x4660] =	vst v2  }
0x72: {  	[tilespmem:$0x4670] =	vst v2  }
0x73: {  	[tilespmem:$0x4680] =	vst v2  }
0x74: {  	[tilespmem:$0x4690] =	vst v2  }
0x75: {  	[tilespmem:$0x46A0] =	vst v2  }
0x76: {  	[tilespmem:$0x46B0] =	vst v2  }
0x77: {  	[tilespmem:$0x46C0] =	vst v2  }
0x78: {  	[tilespmem:$0x46D0] =	vst v2  }
0x79: {  	[tilespmem:$0x46E0] =	vst v2  }
0x7a: {  	[tilespmem:$0x46F0] =	vst v2  }
0x7b: {  	[tilespmem:s2], [sflag:$0x1] =	stream.linear.gather [hbm4b:s3+s2], $0x2000, $0x38;
	[tilespmem:$0x4700] =	vst v63  }
0x7c: {  	_ = 	snop  }
0x7d: {  	[tilespmem:s9], [sflag:$0x2] =	stream.linear.gather [hbm4b:s4+s2], $0x2000, $0x38;
	[tilespmem:$0x4700] =	vst v63  }
0x7e: {  	_ =	swait.ge [sflag:s10], $0x2000  }
0x7f: {  	[sflag:s10] =	ssyncset.done $0x0  }
0x80: {  	s15 =	simm.s32 $0x0;
	[sflag:s10] =	ssyncadd.s32 $0xFFFFE000  }
0x81: {  	v10 =	vld [tilespmem:s15+$0x0];
	_ =	sdelay $0x4  }
0x82: {  	v11 =	vshll.u32 v10, $0x4  }
0x83: {  	v12 =	vand.u32 $0xF0, v10;
	v11 =	vor.u32 v0, v11  }
0x84: {  	v13 =	vshrl.u32 v10, $0x4;
	v14 =	vshrl.u32 v10, $0x8;
	v11 =	vand.u32 v3, v11  }
0x85: {  	v15 =	vshrl.u32 v10, $0xC;
	v13 =	vand.u32 $0xF0, v13;
	v12 =	vor.u32 v5, v12  }
0x86: {  	v10 =	vshrl.u32 v10, $0x10;
	v14 =	vand.u32 $0xF0, v14;
	v13 =	vor.u32 v6, v13  }
0x87: {  	v15 =	vand.u32 $0xF0, v15;
	v10 =	vand.u32 $0x1F0, v10;
	v14 =	vor.u32 v7, v14  }
0x88: {  	v15 =	vor.u32 v8, v15;
	v10 =	vadd.s32 v9, v10  }
0x89: {  	v10 =	vand.u32 $0x7F8, v10;
	[tilespmem:v11+s11+$0x0] =	vst.idx.add.f32.msk $0xffff, v4  }
0x8a: {  	v10 =	vor.u32 v1, v10;
	[tilespmem:v12+s11+$0x0] =	vst.idx.add.f32.msk $0xffff, v4  }
0x8b: {  	[tilespmem:v13+s11+$0x0] =	vst.idx.add.f32.msk $0xffff, v4  }
0x8c: {  	[tilespmem:v14+s11+$0x0] =	vst.idx.add.f32.msk $0xffff, v4  }
0x8d: {  	s16 =	simm.s32 $0x80;
	s15 =	simm.s32 $0x40;
	[tilespmem:v15+s11+$0x0] =	vst.idx.add.f32.msk $0xffff, v4  }
.LBB2_2:
0x8e: {  	p0 =	sne.s32 s16, $0x7FC0  }
0x8f: {  	s17 =	sshra.s32 s15, $0x2;
	[tilespmem:v10+s11+$0x0] =	vst.idx.add.f32.msk $0xffff, v4;
	s15 =	smov.u32 s16;
	s16 =	sadd.s32 $0x40, s16  }
0x90: {  	v10 =	vld [tilespmem:s17+$0x0];
	_ =	sdelay $0x4  }
0x91: {  	v11 =	vshll.u32 v10, $0x4;
	v12 =	vand.u32 $0xF0, v10;
	v13 =	vshrl.u32 v10, $0x4  }
0x92: {  	v14 =	vshrl.u32 v10, $0x8;
	v11 =	vor.u32 v0, v11;
	v13 =	vand.u32 $0xF0, v13  }
0x93: {  	v15 =	vshrl.u32 v10, $0x10;
	v14 =	vand.u32 $0xF0, v14;
	v11 =	vand.u32 v3, v11  }
0x94: {  	v10 =	vshrl.u32 v10, $0xC;
	v12 =	vor.u32 v5, v12;
	v15 =	vand.u32 $0x1F0, v15  }
0x95: {  	v10 =	vand.u32 $0xF0, v10;
	v13 =	vor.u32 v6, v13;
	v15 =	vadd.s32 v9, v15  }
0x96: {  	v14 =	vor.u32 v7, v14;
	v15 =	vand.u32 $0x7F8, v15  }
0x97: {  	v16 =	vor.u32 v8, v10  }
.Ltmp0:
0x98: {  	v10 =	vor.u32 v1, v15;
	[tilespmem:v11+s11+$0x0] =	vst.idx.add.f32.msk $0xffff, v4;
	(pc) =	sbr.rel @p0 .LBB2_2-.Ltmp0, $4  }
0x99: {  	[tilespmem:v12+s11+$0x0] =	vst.idx.add.f32.msk $0xffff, v4  }
0x9a: {  	[tilespmem:v13+s11+$0x0] =	vst.idx.add.f32.msk $0xffff, v4  }
0x9b: {  	[tilespmem:v14+s11+$0x0] =	vst.idx.add.f32.msk $0xffff, v4  }
0x9c: {  	[tilespmem:v16+s11+$0x0] =	vst.idx.add.f32.msk $0xffff, v4  }
0x9d: {  	_ =	sdelay $0x3  }
0x9e: {  	s15 =	sshra.s32 s15, $0x2;
	[tilespmem:v10+s11+$0x0] =	vst.idx.add.f32.msk $0xffff, v4  }
0x9f: {  	v10 =	vld [tilespmem:s15+$0x0];
	_ =	sdelay $0x4  }
0xa0: {  	v11 =	vshll.u32 v10, $0x4  }
0xa1: {  	v12 =	vand.u32 $0xF0, v10;
	v13 =	vshrl.u32 v10, $0x4;
	v11 =	vor.u32 v0, v11  }
0xa2: {  	v14 =	vshrl.u32 v10, $0x8;
	v15 =	vshrl.u32 v10, $0x10;
	v11 =	vand.u32 v3, v11  }
0xa3: {  	v10 =	vshrl.u32 v10, $0xC;
	v13 =	vand.u32 $0xF0, v13;
	v12 =	vor.u32 v5, v12  }
0xa4: {  	v14 =	vand.u32 $0xF0, v14;
	v15 =	vand.u32 $0x1F0, v15;
	v13 =	vor.u32 v6, v13  }
0xa5: {  	v10 =	vand.u32 $0xF0, v10;
	v15 =	vadd.s32 v9, v15;
	v14 =	vor.u32 v7, v14  }
0xa6: {  	v10 =	vor.u32 v8, v10;
	v15 =	vand.u32 $0x7F8, v15  }
0xa7: {  	[tilespmem:v11+s11+$0x0] =	vst.idx.add.f32.msk $0xffff, v4;
	v11 =	vor.u32 v1, v15  }
0xa8: {  	[tilespmem:v12+s11+$0x0] =	vst.idx.add.f32.msk $0xffff, v4  }
0xa9: {  	[tilespmem:v13+s11+$0x0] =	vst.idx.add.f32.msk $0xffff, v4  }
0xaa: {  	[tilespmem:v14+s11+$0x0] =	vst.idx.add.f32.msk $0xffff, v4  }
0xab: {  	[tilespmem:v10+s11+$0x0] =	vst.idx.add.f32.msk $0xffff, v4  }
0xac: {  	s30 =	simm.s32 $0x0;
	[tilespmem:v11+s11+$0x0] =	vst.idx.add.f32.msk $0xffff, v4  }
0xad: {  	[tilespmem:s30], [sflag:$0x1] =	stream.linear.gather [hbm4b:s5+s30], $0x2000, $0x38;
	[tilespmem:$0x4700] =	vst v63  }
0xae: {  	_ =	swait.ge [sflag:s12], $0x2000  }
0xaf: {  	[sflag:s12] =	ssyncset.done $0x0  }
0xb0: {  	s31 =	simm.s32 $0x0;
	[sflag:s12] =	ssyncadd.s32 $0xFFFFE000  }
0xb1: {  	v10 =	vld [tilespmem:s31+$0x2000];
	_ =	sdelay $0x4  }
0xb2: {  	v11 =	vshll.u32 v10, $0x4  }
0xb3: {  	v60 =	vand.u32 $0xF0, v10;
	v11 =	vor.u32 v0, v11  }
0xb4: {  	v61 =	vshrl.u32 v10, $0x4;
	v62 =	vshrl.u32 v10, $0x8;
	v11 =	vand.u32 v3, v11  }
0xb5: {  	v63 =	vshrl.u32 v10, $0xC;
	v13 =	vand.u32 $0xF0, v61;
	v12 =	vor.u32 v5, v60  }
0xb6: {  	v10 =	vshrl.u32 v10, $0x10;
	v14 =	vand.u32 $0xF0, v62;
	v13 =	vor.u32 v6, v13  }
0xb7: {  	v15 =	vand.u32 $0xF0, v63;
	v10 =	vand.u32 $0x1F0, v10;
	v14 =	vor.u32 v7, v14  }
0xb8: {  	v15 =	vor.u32 v8, v15;
	v10 =	vadd.s32 v9, v10  }
0xb9: {  	v10 =	vand.u32 $0x7F8, v10;
	[tilespmem:v11+s11+$0x0] =	vst.idx.add.f32.msk $0xffff, v4  }
0xba: {  	v10 =	vor.u32 v1, v10;
	[tilespmem:v12+s11+$0x0] =	vst.idx.add.f32.msk $0xffff, v4  }
0xbb: {  	[tilespmem:v13+s11+$0x0] =	vst.idx.add.f32.msk $0xffff, v4  }
0xbc: {  	[tilespmem:v14+s11+$0x0] =	vst.idx.add.f32.msk $0xffff, v4  }
0xbd: {  	s16 =	simm.s32 $0x80;
	s15 =	simm.s32 $0x40;
	[tilespmem:v15+s11+$0x0] =	vst.idx.add.f32.msk $0xffff, v4  }
.LBB2_4:
0xbe: {  	p0 =	sne.s32 s16, $0x7FC0  }
0xbf: {  	s17 =	sshra.s32 s15, $0x2;
	[tilespmem:v10+s11+$0x0] =	vst.idx.add.f32.msk $0xffff, v4;
	s15 =	smov.u32 s16;
	s16 =	sadd.s32 $0x40, s16  }
0xc0: {  	v10 =	vld [tilespmem:s17+$0x2000];
	_ =	sdelay $0x4  }
0xc1: {  	v11 =	vshll.u32 v10, $0x4;
	v12 =	vand.u32 $0xF0, v10;
	v13 =	vshrl.u32 v10, $0x4  }
0xc2: {  	v14 =	vshrl.u32 v10, $0x8;
	v11 =	vor.u32 v0, v11;
	v13 =	vand.u32 $0xF0, v13  }
0xc3: {  	v15 =	vshrl.u32 v10, $0x10;
	v14 =	vand.u32 $0xF0, v14;
	v11 =	vand.u32 v3, v11  }
0xc4: {  	v10 =	vshrl.u32 v10, $0xC;
	v12 =	vor.u32 v5, v12;
	v15 =	vand.u32 $0x1F0, v15  }
0xc5: {  	v10 =	vand.u32 $0xF0, v10;
	v13 =	vor.u32 v6, v13;
	v15 =	vadd.s32 v9, v15  }
0xc6: {  	v14 =	vor.u32 v7, v14;
	v15 =	vand.u32 $0x7F8, v15  }
0xc7: {  	v16 =	vor.u32 v8, v10  }
.Ltmp1:
0xc8: {  	v10 =	vor.u32 v1, v15;
	[tilespmem:v11+s11+$0x0] =	vst.idx.add.f32.msk $0xffff, v4;
	(pc) =	sbr.rel @p0 .LBB2_4-.Ltmp1, $4  }
0xc9: {  	[tilespmem:v12+s11+$0x0] =	vst.idx.add.f32.msk $0xffff, v4  }
0xca: {  	[tilespmem:v13+s11+$0x0] =	vst.idx.add.f32.msk $0xffff, v4  }
0xcb: {  	[tilespmem:v14+s11+$0x0] =	vst.idx.add.f32.msk $0xffff, v4  }
0xcc: {  	[tilespmem:v16+s11+$0x0] =	vst.idx.add.f32.msk $0xffff, v4  }
0xcd: {  	_ =	sdelay $0x3  }
0xce: {  	s15 =	sshra.s32 s15, $0x2;
	[tilespmem:v10+s11+$0x0] =	vst.idx.add.f32.msk $0xffff, v4  }
0xcf: {  	v10 =	vld [tilespmem:s15+$0x2000];
	_ =	sdelay $0x4  }
0xd0: {  	v11 =	vshll.u32 v10, $0x4  }
0xd1: {  	v12 =	vand.u32 $0xF0, v10;
	v13 =	vshrl.u32 v10, $0x4;
	v11 =	vor.u32 v0, v11  }
0xd2: {  	v14 =	vshrl.u32 v10, $0x8;
	v15 =	vshrl.u32 v10, $0x10;
	v11 =	vand.u32 v3, v11  }
0xd3: {  	v10 =	vshrl.u32 v10, $0xC;
	v13 =	vand.u32 $0xF0, v13;
	v12 =	vor.u32 v5, v12  }
0xd4: {  	v14 =	vand.u32 $0xF0, v14;
	v15 =	vand.u32 $0x1F0, v15;
	v13 =	vor.u32 v6, v13  }
0xd5: {  	v10 =	vand.u32 $0xF0, v10;
	v15 =	vadd.s32 v9, v15;
	v14 =	vor.u32 v7, v14  }
0xd6: {  	v10 =	vor.u32 v8, v10;
	v15 =	vand.u32 $0x7F8, v15  }
0xd7: {  	[tilespmem:v11+s11+$0x0] =	vst.idx.add.f32.msk $0xffff, v4;
	v11 =	vor.u32 v1, v15  }
0xd8: {  	[tilespmem:v12+s11+$0x0] =	vst.idx.add.f32.msk $0xffff, v4  }
0xd9: {  	[tilespmem:v13+s11+$0x0] =	vst.idx.add.f32.msk $0xffff, v4  }
0xda: {  	[tilespmem:v14+s11+$0x0] =	vst.idx.add.f32.msk $0xffff, v4  }
0xdb: {  	[tilespmem:v10+s11+$0x0] =	vst.idx.add.f32.msk $0xffff, v4  }
0xdc: {  	s30 =	simm.s32 $0x0;
	[tilespmem:v11+s11+$0x0] =	vst.idx.add.f32.msk $0xffff, v4  }
0xdd: {  	[tilespmem:s9], [sflag:$0x2] =	stream.linear.gather [hbm4b:s6+s30], $0x2000, $0x38;
	[tilespmem:$0x4700] =	vst v63  }
0xde: {  	_ =	swait.ge [sflag:s10], $0x2000  }
0xdf: {  	[sflag:s10] =	ssyncset.done $0x0  }
0xe0: {  	s31 =	simm.s32 $0x0;
	[sflag:s10] =	ssyncadd.s32 $0xFFFFE000  }
0xe1: {  	v10 =	vld [tilespmem:s31+$0x0];
	_ =	sdelay $0x4  }
0xe2: {  	v11 =	vshll.u32 v10, $0x4  }
0xe3: {  	v60 =	vand.u32 $0xF0, v10;
	v11 =	vor.u32 v0, v11  }
0xe4: {  	v61 =	vshrl.u32 v10, $0x4;
	v62 =	vshrl.u32 v10, $0x8;
	v11 =	vand.u32 v3, v11  }
0xe5: {  	v63 =	vshrl.u32 v10, $0xC;
	v13 =	vand.u32 $0xF0, v61;
	v12 =	vor.u32 v5, v60  }
0xe6: {  	v10 =	vshrl.u32 v10, $0x10;
	v14 =	vand.u32 $0xF0, v62;
	v13 =	vor.u32 v6, v13  }
0xe7: {  	v15 =	vand.u32 $0xF0, v63;
	v10 =	vand.u32 $0x1F0, v10;
	v14 =	vor.u32 v7, v14  }
0xe8: {  	v15 =	vor.u32 v8, v15;
	v10 =	vadd.s32 v9, v10  }
0xe9: {  	v10 =	vand.u32 $0x7F8, v10;
	[tilespmem:v11+s11+$0x0] =	vst.idx.add.f32.msk $0xffff, v4  }
0xea: {  	v10 =	vor.u32 v1, v10;
	[tilespmem:v12+s11+$0x0] =	vst.idx.add.f32.msk $0xffff, v4  }
0xeb: {  	[tilespmem:v13+s11+$0x0] =	vst.idx.add.f32.msk $0xffff, v4  }
0xec: {  	[tilespmem:v14+s11+$0x0] =	vst.idx.add.f32.msk $0xffff, v4  }
0xed: {  	s16 =	simm.s32 $0x80;
	s15 =	simm.s32 $0x40;
	[tilespmem:v15+s11+$0x0] =	vst.idx.add.f32.msk $0xffff, v4  }
.LBB2_6:
0xee: {  	p0 =	sne.s32 s16, $0x7FC0  }
0xef: {  	s17 =	sshra.s32 s15, $0x2;
	[tilespmem:v10+s11+$0x0] =	vst.idx.add.f32.msk $0xffff, v4;
	s15 =	smov.u32 s16;
	s16 =	sadd.s32 $0x40, s16  }
0xf0: {  	v10 =	vld [tilespmem:s17+$0x0];
	_ =	sdelay $0x4  }
0xf1: {  	v11 =	vshll.u32 v10, $0x4;
	v12 =	vand.u32 $0xF0, v10;
	v13 =	vshrl.u32 v10, $0x4  }
0xf2: {  	v14 =	vshrl.u32 v10, $0x8;
	v11 =	vor.u32 v0, v11;
	v13 =	vand.u32 $0xF0, v13  }
0xf3: {  	v15 =	vshrl.u32 v10, $0x10;
	v14 =	vand.u32 $0xF0, v14;
	v11 =	vand.u32 v3, v11  }
0xf4: {  	v10 =	vshrl.u32 v10, $0xC;
	v12 =	vor.u32 v5, v12;
	v15 =	vand.u32 $0x1F0, v15  }
0xf5: {  	v10 =	vand.u32 $0xF0, v10;
	v13 =	vor.u32 v6, v13;
	v15 =	vadd.s32 v9, v15  }
0xf6: {  	v14 =	vor.u32 v7, v14;
	v15 =	vand.u32 $0x7F8, v15  }
0xf7: {  	v16 =	vor.u32 v8, v10  }
.Ltmp2:
0xf8: {  	v10 =	vor.u32 v1, v15;
	[tilespmem:v11+s11+$0x0] =	vst.idx.add.f32.msk $0xffff, v4;
	(pc) =	sbr.rel @p0 .LBB2_6-.Ltmp2, $4  }
0xf9: {  	[tilespmem:v12+s11+$0x0] =	vst.idx.add.f32.msk $0xffff, v4  }
0xfa: {  	[tilespmem:v13+s11+$0x0] =	vst.idx.add.f32.msk $0xffff, v4  }
0xfb: {  	[tilespmem:v14+s11+$0x0] =	vst.idx.add.f32.msk $0xffff, v4  }
0xfc: {  	[tilespmem:v16+s11+$0x0] =	vst.idx.add.f32.msk $0xffff, v4  }
0xfd: {  	_ =	sdelay $0x3  }
0xfe: {  	s15 =	sshra.s32 s15, $0x2;
	[tilespmem:v10+s11+$0x0] =	vst.idx.add.f32.msk $0xffff, v4  }
0xff: {  	v10 =	vld [tilespmem:s15+$0x0];
	_ =	sdelay $0x4  }
0x100: {  	v11 =	vshll.u32 v10, $0x4  }
0x101: {  	v12 =	vand.u32 $0xF0, v10;
	v13 =	vshrl.u32 v10, $0x4;
	v11 =	vor.u32 v0, v11  }
0x102: {  	v14 =	vshrl.u32 v10, $0x8;
	v15 =	vshrl.u32 v10, $0x10;
	v11 =	vand.u32 v3, v11  }
0x103: {  	v10 =	vshrl.u32 v10, $0xC;
	v13 =	vand.u32 $0xF0, v13;
	v12 =	vor.u32 v5, v12  }
0x104: {  	v14 =	vand.u32 $0xF0, v14;
	v15 =	vand.u32 $0x1F0, v15;
	v13 =	vor.u32 v6, v13  }
0x105: {  	v10 =	vand.u32 $0xF0, v10;
	v15 =	vadd.s32 v9, v15;
	v14 =	vor.u32 v7, v14  }
0x106: {  	v10 =	vor.u32 v8, v10;
	v15 =	vand.u32 $0x7F8, v15  }
0x107: {  	[tilespmem:v11+s11+$0x0] =	vst.idx.add.f32.msk $0xffff, v4;
	v11 =	vor.u32 v1, v15  }
0x108: {  	[tilespmem:v12+s11+$0x0] =	vst.idx.add.f32.msk $0xffff, v4  }
0x109: {  	[tilespmem:v13+s11+$0x0] =	vst.idx.add.f32.msk $0xffff, v4  }
0x10a: {  	[tilespmem:v14+s11+$0x0] =	vst.idx.add.f32.msk $0xffff, v4  }
0x10b: {  	[tilespmem:v10+s11+$0x0] =	vst.idx.add.f32.msk $0xffff, v4  }
0x10c: {  	[tilespmem:v11+s11+$0x0] =	vst.idx.add.f32.msk $0xffff, v4  }
0x10d: {  	_ =	swait.ge [sflag:s12], $0x2000  }
0x10e: {  	[sflag:s12] =	ssyncset.done $0x0  }
0x10f: {  	s31 =	simm.s32 $0x0;
	[sflag:s12] =	ssyncadd.s32 $0xFFFFE000  }
0x110: {  	v10 =	vld [tilespmem:s31+$0x2000];
	_ =	sdelay $0x4  }
0x111: {  	v11 =	vshll.u32 v10, $0x4  }
0x112: {  	v60 =	vand.u32 $0xF0, v10;
	v11 =	vor.u32 v0, v11  }
0x113: {  	v61 =	vshrl.u32 v10, $0x4;
	v62 =	vshrl.u32 v10, $0x8;
	v11 =	vand.u32 v3, v11  }
0x114: {  	v63 =	vshrl.u32 v10, $0xC;
	v13 =	vand.u32 $0xF0, v61;
	v12 =	vor.u32 v5, v60  }
0x115: {  	v10 =	vshrl.u32 v10, $0x10;
	v14 =	vand.u32 $0xF0, v62;
	v13 =	vor.u32 v6, v13  }
0x116: {  	v15 =	vand.u32 $0xF0, v63;
	v10 =	vand.u32 $0x1F0, v10;
	v14 =	vor.u32 v7, v14  }
0x117: {  	v15 =	vor.u32 v8, v15;
	v10 =	vadd.s32 v9, v10  }
0x118: {  	v10 =	vand.u32 $0x7F8, v10;
	[tilespmem:v11+s11+$0x0] =	vst.idx.add.f32.msk $0xffff, v4  }
0x119: {  	v10 =	vor.u32 v1, v10;
	[tilespmem:v12+s11+$0x0] =	vst.idx.add.f32.msk $0xffff, v4  }
0x11a: {  	[tilespmem:v13+s11+$0x0] =	vst.idx.add.f32.msk $0xffff, v4  }
0x11b: {  	[tilespmem:v14+s11+$0x0] =	vst.idx.add.f32.msk $0xffff, v4  }
0x11c: {  	s16 =	simm.s32 $0x80;
	s15 =	simm.s32 $0x40;
	[tilespmem:v15+s11+$0x0] =	vst.idx.add.f32.msk $0xffff, v4  }
.LBB2_8:
0x11d: {  	p0 =	sne.s32 s16, $0x7FC0  }
0x11e: {  	s17 =	sshra.s32 s15, $0x2;
	[tilespmem:v10+s11+$0x0] =	vst.idx.add.f32.msk $0xffff, v4;
	s15 =	smov.u32 s16;
	s16 =	sadd.s32 $0x40, s16  }
0x11f: {  	v10 =	vld [tilespmem:s17+$0x2000];
	_ =	sdelay $0x4  }
0x120: {  	v11 =	vshll.u32 v10, $0x4;
	v12 =	vand.u32 $0xF0, v10;
	v13 =	vshrl.u32 v10, $0x4  }
0x121: {  	v14 =	vshrl.u32 v10, $0x8;
	v11 =	vor.u32 v0, v11;
	v13 =	vand.u32 $0xF0, v13  }
0x122: {  	v15 =	vshrl.u32 v10, $0x10;
	v14 =	vand.u32 $0xF0, v14;
	v11 =	vand.u32 v3, v11  }
0x123: {  	v10 =	vshrl.u32 v10, $0xC;
	v12 =	vor.u32 v5, v12;
	v15 =	vand.u32 $0x1F0, v15  }
0x124: {  	v10 =	vand.u32 $0xF0, v10;
	v13 =	vor.u32 v6, v13;
	v15 =	vadd.s32 v9, v15  }
0x125: {  	v14 =	vor.u32 v7, v14;
	v15 =	vand.u32 $0x7F8, v15  }
0x126: {  	v16 =	vor.u32 v8, v10  }
.Ltmp3:
0x127: {  	v10 =	vor.u32 v1, v15;
	[tilespmem:v11+s11+$0x0] =	vst.idx.add.f32.msk $0xffff, v4;
	(pc) =	sbr.rel @p0 .LBB2_8-.Ltmp3, $4  }
0x128: {  	[tilespmem:v12+s11+$0x0] =	vst.idx.add.f32.msk $0xffff, v4  }
0x129: {  	[tilespmem:v13+s11+$0x0] =	vst.idx.add.f32.msk $0xffff, v4  }
0x12a: {  	[tilespmem:v14+s11+$0x0] =	vst.idx.add.f32.msk $0xffff, v4  }
0x12b: {  	[tilespmem:v16+s11+$0x0] =	vst.idx.add.f32.msk $0xffff, v4  }
0x12c: {  	_ =	sdelay $0x3  }
0x12d: {  	s15 =	sshra.s32 s15, $0x2;
	[tilespmem:v10+s11+$0x0] =	vst.idx.add.f32.msk $0xffff, v4  }
0x12e: {  	v10 =	vld [tilespmem:s15+$0x2000];
	_ =	sdelay $0x4  }
0x12f: {  	v11 =	vshll.u32 v10, $0x4  }
0x130: {  	v12 =	vand.u32 $0xF0, v10;
	v13 =	vshrl.u32 v10, $0x4;
	v11 =	vor.u32 v0, v11  }
0x131: {  	v14 =	vshrl.u32 v10, $0x8;
	v15 =	vshrl.u32 v10, $0x10;
	v11 =	vand.u32 v3, v11  }
0x132: {  	v10 =	vshrl.u32 v10, $0xC;
	v13 =	vand.u32 $0xF0, v13;
	v12 =	vor.u32 v5, v12  }
0x133: {  	v14 =	vand.u32 $0xF0, v14;
	v15 =	vand.u32 $0x1F0, v15;
	v13 =	vor.u32 v6, v13  }
0x134: {  	v10 =	vand.u32 $0xF0, v10;
	v15 =	vadd.s32 v9, v15;
	v14 =	vor.u32 v7, v14  }
0x135: {  	v10 =	vor.u32 v8, v10;
	v15 =	vand.u32 $0x7F8, v15  }
0x136: {  	[tilespmem:v11+s11+$0x0] =	vst.idx.add.f32.msk $0xffff, v4;
	v11 =	vor.u32 v1, v15  }
0x137: {  	[tilespmem:v12+s11+$0x0] =	vst.idx.add.f32.msk $0xffff, v4  }
0x138: {  	[tilespmem:v13+s11+$0x0] =	vst.idx.add.f32.msk $0xffff, v4  }
0x139: {  	s14 =	sadd.s32 $0x1, s14;
	[tilespmem:v14+s11+$0x0] =	vst.idx.add.f32.msk $0xffff, v4  }
0x13a: {  	p0 =	sne.s32 s14, s8;
	[tilespmem:v10+s11+$0x0] =	vst.idx.add.f32.msk $0xffff, v4  }
.Ltmp4:
0x13b: {  	[tilespmem:v11+s11+$0x0] =	vst.idx.add.f32.msk $0xffff, v4;
	(pc) =	sbr.rel @p0 .LBB2_1-.Ltmp4, $4  }
0x13c: {  	[hbm4b:s7+s2] =	stream.linear.scatter [tilespmem:s11], [sflag:$0x3], $0x700, $0x38;
	[tilespmem:$0x4700] =	vst v63  }
0x13d: {  	_ =	swait.ge [sflag:s13], $0x700  }
0x13e: {  	[sflag:s13] =	ssyncset.done $0x0  }
0x13f: {  	[sflag:s13] =	ssyncadd.s32 $0xFFFFF900  }
0x140: {  	_ =	sfence.sel $0x180000  }
0x141: {  	[bflag:$0x0] =	sbarrier.arrive $0xFFFF  }
0x142: {  	p0 =	sne.s32 s0, $0x0;
	_ =	strace $0x90000047  }
0x143: {  	s0 =	sadd.s32 @!p0 $0x100000, s1;
	[bflag:$0x2] =	sbarrier.arrive $0xFFFF  }
0x144: {  	[sflag:s0] =	ssyncadd.tile.s32 @!p0 $0x1;
	_ =	shalt  }
.Lfunc_end2:
_tile_overlayer_lowered:
.L_overlay_start_2:
0x145: {  	(tag) =	ssettag $0x2  }
0x146: {  	s0 =	rddreg [dreg:$0x0];
	s2 =	stileid.u32  }
0x147: {  	s1 =	rddreg [dreg:$0x1];
	p0 =	sne.s32 s2, $0x0  }
0x148: {  	s3 =	rddreg [dreg:$0x2];
	[bflag:$0x3] =	sbarrier.arrive $0xFFFF;
	s2 =	simm.s32 @!p0 $0x1C03  }
0x149: {  	[timem:s3], [sflag:s2] =	dma.local @!p0 [hbm:s0], s1  }
0x14a: {  	s0 =	simm.s32 @!p0 $0x3  }
0x14b: {  	_ =	swait.ge @!p0 [sflag:s0], s1  }
0x14c: {  	s1 =	ssub.s32 @!p0 $0x0, s1;
	[sflag:s0] =	ssyncset.done @!p0 $0x0  }
0x14d: {  	[sflag:s0] =	ssyncadd.s32 @!p0 s1  }
0x14e: {  	[bflag:$0x3] =	sbarrier.arrive $0xFFFF  }
0x14f: {  	_ =	shalt  }

</sc_bundles>
